<compile_context>
chip_gen: v7x
topology: tpu7x:2x2x1
jax: 0.10.2.dev20260603
libtpu: 0.0.44.dev20260713+nightly
codegen_flags: <defaults>
</compile_context>

<pallas_src>
import functools

import jax
import jax.numpy as jnp
from jax import lax
from jax.experimental import pallas as pl
from jax.experimental.pallas import tpu as pltpu
from jax.experimental.pallas import tpu_sc as plsc

S = 4096
E = 64
D = 4096
CAP = 64

R1 = 512
NB = S // R1
NC = 2
NS = 16
NW = NC * NS
TPW = S // NW
GPW = TPW // 16


def _stage1_kernel(x_ref, w_ref, idx_ref, gmax_ref, locw_ref, bcnt_ref,
                   me_ref, me_acc):
    i = pl.program_id(0)

    @pl.when(i == 0)
    def _init():
        me_acc[...] = jnp.zeros_like(me_acc)

    x = x_ref[...]
    w = w_ref[...]
    logits = jax.lax.dot_general(
        w, x, (((1,), (1,)), ((), ())), preferred_element_type=jnp.float32)
    rm = jnp.max(logits, axis=0, keepdims=True)
    unn = jnp.exp(logits - rm)
    den = jnp.sum(unn, axis=0, keepdims=True)
    gates = unn / den

    gmax = jnp.max(gates, axis=0, keepdims=True)
    rows = jax.lax.broadcasted_iota(jnp.int32, (E, R1), 0)
    idx = jnp.min(jnp.where(gates == gmax, rows, E), axis=0, keepdims=True)

    maskf = (rows == idx).astype(jnp.float32)
    ri = jax.lax.broadcasted_iota(jnp.int32, (R1, R1), 0)
    ci = jax.lax.broadcasted_iota(jnp.int32, (R1, R1), 1)
    tri = (ri <= ci).astype(jnp.float32)
    csum = jax.lax.dot_general(
        maskf, tri, (((1,), (0,)), ((), ())), preferred_element_type=jnp.float32)
    locw = jnp.sum((csum - 1.0) * maskf, axis=0, keepdims=True)

    ones_row = jnp.ones((1, R1), jnp.float32)
    bcnt = jax.lax.dot_general(
        ones_row, maskf, (((1,), (1,)), ((), ())),
        preferred_element_type=jnp.float32)

    me_acc[...] = me_acc[...] + jnp.sum(gates, axis=1, keepdims=True)

    idx_ref[...] = idx
    gmax_ref[...] = gmax
    locw_ref[...] = locw.astype(jnp.int32)
    bcnt_ref[...] = bcnt.astype(jnp.int32)[None]

    @pl.when(i == pl.num_programs(0) - 1)
    def _fin():
        me_ref[...] = me_acc[...]


def _route_kernel(idx_hbm, locw_hbm, bcnt_hbm, loc_hbm, cnt_hbm,
                  idx_v, locw_v, loc_v, bcnt_v, tot_v):
    c = lax.axis_index("c")
    s_ = lax.axis_index("s")
    w = s_ * NC + c
    base = w * TPW
    blk = base // R1

    pltpu.sync_copy(idx_hbm.at[pl.ds(base, TPW)], idx_v)
    pltpu.sync_copy(locw_hbm.at[pl.ds(base, TPW)], locw_v)
    pltpu.sync_copy(bcnt_hbm, bcnt_v)

    prefs, tots = [], []
    for k in range(E // 16):
        pref = jnp.zeros((16,), jnp.int32)
        tot = jnp.zeros((16,), jnp.int32)
        for b in range(NB):
            row = bcnt_v[b, pl.ds(k * 16, 16)]
            gate = jnp.where(b < blk, 1, 0)
            pref = pref + row * gate
            tot = tot + row
        prefs.append(pref)
        tots.append(tot)

    for g in range(GPW):
        sl = pl.ds(g * 16, 16)
        v = idx_v[sl]
        p = jnp.zeros((16,), jnp.int32)
        for k in range(E // 16):
            ii = jnp.clip(v - 16 * k, 0, 15)
            gk = prefs[k].at[ii].get(mode="promise_in_bounds")
            m = (v >= 16 * k) & (v < 16 * k + 16)
            p = jnp.where(m, gk, p)
        loc_v[sl] = locw_v[sl] + p

    pltpu.sync_copy(loc_v, loc_hbm.at[pl.ds(base, TPW)])

    @pl.when(w == 0)
    def _tot():
        for k in range(E // 16):
            tot_v[pl.ds(k * 16, 16)] = tots[k]
        pltpu.sync_copy(tot_v, cnt_hbm)


def _stage2_kernel(idx_ref, gmax_ref, loc_ref, me_ref, cnt_ref,
                   combine_ref, dispatch_ref, laux_ref, *, r):
    i = pl.program_id(0)
    idx = idx_ref[...]
    gmax = gmax_ref[...]
    loc = loc_ref[...]

    keep = loc < CAP
    loc_kept = jnp.where(keep, loc, -1)
    idx_k = jnp.where(keep, idx, -1)
    g1 = jnp.where(keep, gmax, 0.0)

    e3 = jax.lax.broadcasted_iota(jnp.int32, (E, CAP, r), 0)
    c3 = jax.lax.broadcasted_iota(jnp.int32, (E, CAP, r), 1)
    m3 = (e3 == idx_k[:, None, :]) & (c3 == loc_kept[:, None, :])
    combine_ref[...] = jnp.where(m3, g1[:, None, :], 0.0)
    dispatch_ref[...] = m3.astype(jnp.int8)

    @pl.when(i == 0)
    def _fin():
        me = me_ref[...]
        cnt = cnt_ref[...].astype(jnp.float32)
        laux_ref[...] = (jnp.sum(me * cnt, axis=0, keepdims=True)
                         * (float(E) / (float(S) * float(S))))


def _route_call(idx_flat, locw_flat, bcnt):
    mesh = plsc.VectorSubcoreMesh(core_axis_name="c", subcore_axis_name="s")
    kfn = pl.kernel(
        _route_kernel,
        mesh=mesh,
        out_type=[
            jax.ShapeDtypeStruct((S,), jnp.int32),
            jax.ShapeDtypeStruct((E,), jnp.int32),
        ],
        scratch_types=[
            pltpu.VMEM((TPW,), jnp.int32),
            pltpu.VMEM((TPW,), jnp.int32),
            pltpu.VMEM((TPW,), jnp.int32),
            pltpu.VMEM((NB, E), jnp.int32),
            pltpu.VMEM((E,), jnp.int32),
        ],
    )
    return kfn(idx_flat, locw_flat, bcnt)


def kernel(input, W):
    out1 = pl.pallas_call(
        _stage1_kernel,
        grid=(NB,),
        in_specs=[
            pl.BlockSpec((R1, D), lambda i: (i, 0)),
            pl.BlockSpec((E, D), lambda i: (0, 0)),
        ],
        out_specs=[
            pl.BlockSpec((1, R1), lambda i: (0, i)),
            pl.BlockSpec((1, R1), lambda i: (0, i)),
            pl.BlockSpec((1, R1), lambda i: (0, i)),
            pl.BlockSpec((1, 1, E), lambda i: (i, 0, 0)),
            pl.BlockSpec((E, 1), lambda i: (0, 0)),
        ],
        out_shape=[
            jax.ShapeDtypeStruct((1, S), jnp.int32),
            jax.ShapeDtypeStruct((1, S), jnp.float32),
            jax.ShapeDtypeStruct((1, S), jnp.int32),
            jax.ShapeDtypeStruct((NB, 1, E), jnp.int32),
            jax.ShapeDtypeStruct((E, 1), jnp.float32),
        ],
        scratch_shapes=[pltpu.VMEM((E, 1), jnp.float32)],
    )(input, W)
    idx2, gmax2, locw2, bcnt, me = out1

    loc_flat, cnt = _route_call(idx2.reshape(S), locw2.reshape(S),
                                bcnt.reshape(NB, E))

    r2 = 512
    out2 = pl.pallas_call(
        functools.partial(_stage2_kernel, r=r2),
        grid=(S // r2,),
        in_specs=[
            pl.BlockSpec((1, r2), lambda i: (0, i)),
            pl.BlockSpec((1, r2), lambda i: (0, i)),
            pl.BlockSpec((1, r2), lambda i: (0, i)),
            pl.BlockSpec((E, 1), lambda i: (0, 0)),
            pl.BlockSpec((E, 1), lambda i: (0, 0)),
        ],
        out_specs=[
            pl.BlockSpec((E, CAP, r2), lambda i: (0, 0, i)),
            pl.BlockSpec((E, CAP, r2), lambda i: (0, 0, i)),
            pl.BlockSpec((1, 1), lambda i: (0, 0)),
        ],
        out_shape=[
            jax.ShapeDtypeStruct((E, CAP, S), jnp.float32),
            jax.ShapeDtypeStruct((E, CAP, S), jnp.int8),
            jax.ShapeDtypeStruct((1, 1), jnp.float32),
        ],
    )(idx2, gmax2, loc_flat.reshape(1, S), me, cnt.reshape(E, 1))
    combine_t, dispatch_t, laux = out2

    combine = jnp.transpose(combine_t, (2, 0, 1))
    dispatch = jnp.transpose(dispatch_t != 0, (2, 0, 1))
    return (laux[0, 0], combine, dispatch, idx2.reshape(S), loc_flat,
            gmax2.reshape(S))

# --- scband reference (transcript-rebuilt; emitter-appended) ---
"""Pipeline reference for scband-top1-gate-60610578481609 (READ-ONLY COPY).

The authoritative reference and input builder live on the scoring server;
editing this copy changes nothing except your own understanding.
"""

import jax, jax.numpy as jnp
import numpy as np
import math


def setup_inputs(seed: int = 0) -> dict:
    key = jax.random.key(seed)
    kx, kw = jax.random.split(key)
    x = jax.random.normal(kx, (4096, 4096), dtype=jnp.float32)
    W = jax.random.normal(kw, (64, 4096), dtype=jnp.float32) * 0.02
    return {"input": x, "W": W}


def top1gating(logits, capacity_factor=1.0):
    # training mode (module default): capacity = capacity_factor * ceil(S / E)
    gates = jax.nn.softmax(logits, axis=1)
    num_tokens = gates.shape[0]
    num_experts = gates.shape[1]
    capacity = int(capacity_factor * math.ceil(num_tokens / num_experts))
    indices1_s = jnp.argmax(gates, axis=1)
    mask1 = jax.nn.one_hot(indices1_s, num_experts, dtype=jnp.int32)
    mask1_ = mask1
    gates1_s = jnp.sum(gates * mask1, axis=1)
    locations1 = jnp.cumsum(mask1, axis=0) - 1
    me = jnp.mean(gates, axis=0)
    ce = jnp.mean(mask1.astype(gates.dtype), axis=0)
    l_aux = jnp.mean(me * ce)
    l_aux = l_aux * num_experts * num_experts
    mask1 = mask1 * (locations1 < capacity).astype(mask1.dtype)
    locations1_s = jnp.sum(locations1 * mask1, axis=1)
    locations1_s_ = jnp.sum(locations1 * mask1_, axis=1)
    gates1 = jnp.einsum('s,se->se', gates1_s, mask1.astype(gates1_s.dtype))
    locations1_sc = jax.nn.one_hot(locations1_s, capacity, dtype=gates1.dtype)
    combine1_sec = jnp.einsum('se,sc->sec', gates1, locations1_sc)
    dispatch_mask = combine1_sec.astype(bool)
    return (l_aux, combine1_sec, dispatch_mask, indices1_s, locations1_s_, gates1_s)


def reference(input, W):
    # wg: Linear(model_dim, num_experts, bias=False); torch stores weight as [E, d]
    logits = input @ W.T
    return top1gating(logits, capacity_factor=1.0)

if __name__ == "__main__":
    import jax
    _d = setup_inputs()
    print(jax.jit(kernel)(*tuple(_d.values())))

</pallas_src>

<mosaic_0001>
#map = affine_map<(d0, d1) -> (0)>
#map1 = affine_map<(d0, d1) -> (0, 0)>
module attributes {stable_mosaic.version = 14 : i64} {
  func.func @_route_kernel(%arg0: i32, %arg1: i32, %arg2: memref<4096xi32, #tpu.memory_space<hbm>>, %arg3: memref<4096xi32, #tpu.memory_space<hbm>>, %arg4: memref<8x64xi32, #tpu.memory_space<hbm>>, %arg5: memref<4096xi32, #tpu.memory_space<hbm>>, %arg6: memref<64xi32, #tpu.memory_space<hbm>>, %arg7: memref<128xi32, #tpu.memory_space<vmem>>, %arg8: memref<128xi32, #tpu.memory_space<vmem>>, %arg9: memref<128xi32, #tpu.memory_space<vmem>>, %arg10: memref<8x64xi32, #tpu.memory_space<vmem>>, %arg11: memref<64xi32, #tpu.memory_space<vmem>>) attributes {dimension_semantics = [#tpu.dimension_semantics<core_parallel>, #tpu.dimension_semantics<subcore_parallel>], iteration_bounds = array<i64: 2, 16>, scalar_prefetch = 0 : i64, scratch_operands = 5 : i64, tpu.core_type = #tpu.core_type<sc_vector_subcore>, window_params = [{transform_indices = #map}, {transform_indices = #map}, {transform_indices = #map1}, {transform_indices = #map}, {transform_indices = #map}]} {
    %mul3A = arith.constant 2 : i32
    %mul3A_0 = arith.muli %arg1, %mul3A : i32
    %add3A = arith.addi %mul3A_0, %arg0 : i32
    %mul3A_1 = arith.constant 128 : i32
    %mul3A_2 = arith.muli %add3A, %mul3A_1 : i32
    %jit3A = arith.constant 512 : i32
    %div3A = arith.divsi %mul3A_2, %jit3A : i32
    %sign3A = arith.constant 0 : i32
    %sign3A_3 = arith.cmpi sgt, %mul3A_2, %sign3A : i32
    %sign3A_4 = arith.extui %sign3A_3 : i1 to i32
    %sign3A_5 = arith.constant 0 : i32
    %sign3A_6 = arith.cmpi slt, %mul3A_2, %sign3A_5 : i32
    %sign3A_7 = arith.extui %sign3A_6 : i1 to i32
    %sign3A_8 = arith.subi %sign3A_4, %sign3A_7 : i32
    %sign3A_9 = arith.constant 0 : i32
    %sign3A_10 = arith.cmpi sgt, %jit3A, %sign3A_9 : i32
    %sign3A_11 = arith.extui %sign3A_10 : i1 to i32
    %sign3A_12 = arith.constant 0 : i32
    %sign3A_13 = arith.cmpi slt, %jit3A, %sign3A_12 : i32
    %sign3A_14 = arith.extui %sign3A_13 : i1 to i32
    %sign3A_15 = arith.subi %sign3A_11, %sign3A_14 : i32
    %ne3A = arith.cmpi ne, %sign3A_8, %sign3A_15 : i32
    %rem3A = arith.remsi %mul3A_2, %jit3A : i32
    %ne3A_16 = arith.constant 0 : i32
    %ne3A_17 = arith.cmpi ne, %rem3A, %ne3A_16 : i32
    %and3A = arith.andi %ne3A, %ne3A_17 : i1
    %sub3A = arith.constant 1 : i32
    %sub3A_18 = arith.subi %div3A, %sub3A : i32
    %select_n3A = arith.select %and3A, %sub3A_18, %div3A : i32
    "tpu.region"() ({
      %run_scoped3A = tpu.sem_alloc : memref<!tpu.dma_semaphore, #tpu.memory_space<semaphore_mem>>
      %dma_start3A = tpu.memref_slice %arg2[%mul3A_2] : memref<4096xi32, #tpu.memory_space<hbm>> -> memref<128xi32, #tpu.memory_space<hbm>>
      %dma_start3A_1444 = tpu.memref_slice %arg2[%mul3A_2] : memref<4096xi32, #tpu.memory_space<hbm>> -> memref<128xi32, #tpu.memory_space<hbm>>
      tpu.enqueue_dma source(%dma_start3A_1444 : memref<128xi32, #tpu.memory_space<hbm>>) target(%arg7 : memref<128xi32, #tpu.memory_space<vmem>>) target_semaphore(%run_scoped3A : memref<!tpu.dma_semaphore, #tpu.memory_space<semaphore_mem>>)
      %dma_wait3A = tpu.memref_slice %arg2[%mul3A_2] : memref<4096xi32, #tpu.memory_space<hbm>> -> memref<128xi32, #tpu.memory_space<hbm>>
      %dma_wait3A_1445 = tpu.memref_slice %arg2[%mul3A_2] : memref<4096xi32, #tpu.memory_space<hbm>> -> memref<128xi32, #tpu.memory_space<hbm>>
      tpu.wait_dma2 semaphore(%run_scoped3A : memref<!tpu.dma_semaphore, #tpu.memory_space<semaphore_mem>>) src(%dma_wait3A_1445 : memref<128xi32, #tpu.memory_space<hbm>>) dst(%arg7 : memref<128xi32, #tpu.memory_space<vmem>>)
      tpu.yield
    }) : () -> ()
    "tpu.region"() ({
      %run_scoped3A = tpu.sem_alloc : memref<!tpu.dma_semaphore, #tpu.memory_space<semaphore_mem>>
      %dma_start3A = tpu.memref_slice %arg3[%mul3A_2] : memref<4096xi32, #tpu.memory_space<hbm>> -> memref<128xi32, #tpu.memory_space<hbm>>
      %dma_start3A_1444 = tpu.memref_slice %arg3[%mul3A_2] : memref<4096xi32, #tpu.memory_space<hbm>> -> memref<128xi32, #tpu.memory_space<hbm>>
      tpu.enqueue_dma source(%dma_start3A_1444 : memref<128xi32, #tpu.memory_space<hbm>>) target(%arg8 : memref<128xi32, #tpu.memory_space<vmem>>) target_semaphore(%run_scoped3A : memref<!tpu.dma_semaphore, #tpu.memory_space<semaphore_mem>>)
      %dma_wait3A = tpu.memref_slice %arg3[%mul3A_2] : memref<4096xi32, #tpu.memory_space<hbm>> -> memref<128xi32, #tpu.memory_space<hbm>>
      %dma_wait3A_1445 = tpu.memref_slice %arg3[%mul3A_2] : memref<4096xi32, #tpu.memory_space<hbm>> -> memref<128xi32, #tpu.memory_space<hbm>>
      tpu.wait_dma2 semaphore(%run_scoped3A : memref<!tpu.dma_semaphore, #tpu.memory_space<semaphore_mem>>) src(%dma_wait3A_1445 : memref<128xi32, #tpu.memory_space<hbm>>) dst(%arg8 : memref<128xi32, #tpu.memory_space<vmem>>)
      tpu.yield
    }) : () -> ()
    "tpu.region"() ({
      %run_scoped3A = tpu.sem_alloc : memref<!tpu.dma_semaphore, #tpu.memory_space<semaphore_mem>>
      tpu.enqueue_dma source(%arg4 : memref<8x64xi32, #tpu.memory_space<hbm>>) target(%arg10 : memref<8x64xi32, #tpu.memory_space<vmem>>) target_semaphore(%run_scoped3A : memref<!tpu.dma_semaphore, #tpu.memory_space<semaphore_mem>>)
      tpu.wait_dma2 semaphore(%run_scoped3A : memref<!tpu.dma_semaphore, #tpu.memory_space<semaphore_mem>>) src(%arg4 : memref<8x64xi32, #tpu.memory_space<hbm>>) dst(%arg10 : memref<8x64xi32, #tpu.memory_space<vmem>>)
      tpu.yield
    }) : () -> ()
    %broadcast_in_dim3A = arith.constant 0 : i32
    %broadcast_in_dim3A_19 = vector.broadcast %broadcast_in_dim3A : i32 to vector<16xi32>
    %broadcast_in_dim3A_20 = arith.constant 0 : i32
    %broadcast_in_dim3A_21 = vector.broadcast %broadcast_in_dim3A_20 : i32 to vector<16xi32>
    %get3A = arith.constant 0 : i32
    %get3A_22 = arith.index_cast %get3A : i32 to index
    %get3A_23 = arith.constant 0 : index
    %get3A_24 = tpu.vector_load %arg10[%get3A_22, %get3A_23] {strides = array<i32>} : memref<8x64xi32, #tpu.memory_space<vmem>>, vector<1x16xi32>,
    %get3A_25 = vector.shape_cast %get3A_24 : vector<1x16xi32> to vector<16xi32>
    %gt3A = arith.constant 0 : i32
    %gt3A_26 = arith.cmpi sgt, %select_n3A, %gt3A : i32
    %jit3A_27 = arith.constant 1 : i32
    %jit3A_28 = arith.constant 0 : i32
    %select_n3A_29 = arith.select %gt3A_26, %jit3A_27, %jit3A_28 : i32
    %mul3A_30 = vector.broadcast %select_n3A_29 : i32 to vector<16xi32>
    %mul3A_31 = arith.muli %get3A_25, %mul3A_30 : vector<16xi32>
    %add3A_32 = arith.addi %broadcast_in_dim3A_19, %mul3A_31 : vector<16xi32>
    %add3A_33 = arith.addi %broadcast_in_dim3A_21, %get3A_25 : vector<16xi32>
    %get3A_34 = arith.constant 1 : i32
    %get3A_35 = arith.index_cast %get3A_34 : i32 to index
    %get3A_36 = arith.constant 0 : index
    %get3A_37 = tpu.vector_load %arg10[%get3A_35, %get3A_36] {strides = array<i32>} : memref<8x64xi32, #tpu.memory_space<vmem>>, vector<1x16xi32>,
    %get3A_38 = vector.shape_cast %get3A_37 : vector<1x16xi32> to vector<16xi32>
    %gt3A_39 = arith.constant 1 : i32
    %gt3A_40 = arith.cmpi sgt, %select_n3A, %gt3A_39 : i32
    %jit3A_41 = arith.constant 1 : i32
    %jit3A_42 = arith.constant 0 : i32
    %select_n3A_43 = arith.select %gt3A_40, %jit3A_41, %jit3A_42 : i32
    %mul3A_44 = vector.broadcast %select_n3A_43 : i32 to vector<16xi32>
    %mul3A_45 = arith.muli %get3A_38, %mul3A_44 : vector<16xi32>
    %add3A_46 = arith.addi %add3A_32, %mul3A_45 : vector<16xi32>
    %add3A_47 = arith.addi %add3A_33, %get3A_38 : vector<16xi32>
    %get3A_48 = arith.constant 2 : i32
    %get3A_49 = arith.index_cast %get3A_48 : i32 to index
    %get3A_50 = arith.constant 0 : index
    %get3A_51 = tpu.vector_load %arg10[%get3A_49, %get3A_50] {strides = array<i32>} : memref<8x64xi32, #tpu.memory_space<vmem>>, vector<1x16xi32>,
    %get3A_52 = vector.shape_cast %get3A_51 : vector<1x16xi32> to vector<16xi32>
    %gt3A_53 = arith.constant 2 : i32
    %gt3A_54 = arith.cmpi sgt, %select_n3A, %gt3A_53 : i32
    %jit3A_55 = arith.constant 1 : i32
    %jit3A_56 = arith.constant 0 : i32
    %select_n3A_57 = arith.select %gt3A_54, %jit3A_55, %jit3A_56 : i32
    %mul3A_58 = vector.broadcast %select_n3A_57 : i32 to vector<16xi32>
    %mul3A_59 = arith.muli %get3A_52, %mul3A_58 : vector<16xi32>
    %add3A_60 = arith.addi %add3A_46, %mul3A_59 : vector<16xi32>
    %add3A_61 = arith.addi %add3A_47, %get3A_52 : vector<16xi32>
    %get3A_62 = arith.constant 3 : i32
    %get3A_63 = arith.index_cast %get3A_62 : i32 to index
    %get3A_64 = arith.constant 0 : index
    %get3A_65 = tpu.vector_load %arg10[%get3A_63, %get3A_64] {strides = array<i32>} : memref<8x64xi32, #tpu.memory_space<vmem>>, vector<1x16xi32>,
    %get3A_66 = vector.shape_cast %get3A_65 : vector<1x16xi32> to vector<16xi32>
    %gt3A_67 = arith.constant 3 : i32
    %gt3A_68 = arith.cmpi sgt, %select_n3A, %gt3A_67 : i32
    %jit3A_69 = arith.constant 1 : i32
    %jit3A_70 = arith.constant 0 : i32
    %select_n3A_71 = arith.select %gt3A_68, %jit3A_69, %jit3A_70 : i32
    %mul3A_72 = vector.broadcast %select_n3A_71 : i32 to vector<16xi32>
    %mul3A_73 = arith.muli %get3A_66, %mul3A_72 : vector<16xi32>
    %add3A_74 = arith.addi %add3A_60, %mul3A_73 : vector<16xi32>
    %add3A_75 = arith.addi %add3A_61, %get3A_66 : vector<16xi32>
    %get3A_76 = arith.constant 4 : i32
    %get3A_77 = arith.index_cast %get3A_76 : i32 to index
    %get3A_78 = arith.constant 0 : index
    %get3A_79 = tpu.vector_load %arg10[%get3A_77, %get3A_78] {strides = array<i32>} : memref<8x64xi32, #tpu.memory_space<vmem>>, vector<1x16xi32>,
    %get3A_80 = vector.shape_cast %get3A_79 : vector<1x16xi32> to vector<16xi32>
    %gt3A_81 = arith.constant 4 : i32
    %gt3A_82 = arith.cmpi sgt, %select_n3A, %gt3A_81 : i32
    %jit3A_83 = arith.constant 1 : i32
    %jit3A_84 = arith.constant 0 : i32
    %select_n3A_85 = arith.select %gt3A_82, %jit3A_83, %jit3A_84 : i32
    %mul3A_86 = vector.broadcast %select_n3A_85 : i32 to vector<16xi32>
    %mul3A_87 = arith.muli %get3A_80, %mul3A_86 : vector<16xi32>
    %add3A_88 = arith.addi %add3A_74, %mul3A_87 : vector<16xi32>
    %add3A_89 = arith.addi %add3A_75, %get3A_80 : vector<16xi32>
    %get3A_90 = arith.constant 5 : i32
    %get3A_91 = arith.index_cast %get3A_90 : i32 to index
    %get3A_92 = arith.constant 0 : index
    %get3A_93 = tpu.vector_load %arg10[%get3A_91, %get3A_92] {strides = array<i32>} : memref<8x64xi32, #tpu.memory_space<vmem>>, vector<1x16xi32>,
    %get3A_94 = vector.shape_cast %get3A_93 : vector<1x16xi32> to vector<16xi32>
    %gt3A_95 = arith.constant 5 : i32
    %gt3A_96 = arith.cmpi sgt, %select_n3A, %gt3A_95 : i32
    %jit3A_97 = arith.constant 1 : i32
    %jit3A_98 = arith.constant 0 : i32
    %select_n3A_99 = arith.select %gt3A_96, %jit3A_97, %jit3A_98 : i32
    %mul3A_100 = vector.broadcast %select_n3A_99 : i32 to vector<16xi32>
    %mul3A_101 = arith.muli %get3A_94, %mul3A_100 : vector<16xi32>
    %add3A_102 = arith.addi %add3A_88, %mul3A_101 : vector<16xi32>
    %add3A_103 = arith.addi %add3A_89, %get3A_94 : vector<16xi32>
    %get3A_104 = arith.constant 6 : i32
    %get3A_105 = arith.index_cast %get3A_104 : i32 to index
    %get3A_106 = arith.constant 0 : index
    %get3A_107 = tpu.vector_load %arg10[%get3A_105, %get3A_106] {strides = array<i32>} : memref<8x64xi32, #tpu.memory_space<vmem>>, vector<1x16xi32>,
    %get3A_108 = vector.shape_cast %get3A_107 : vector<1x16xi32> to vector<16xi32>
    %gt3A_109 = arith.constant 6 : i32
    %gt3A_110 = arith.cmpi sgt, %select_n3A, %gt3A_109 : i32
    %jit3A_111 = arith.constant 1 : i32
    %jit3A_112 = arith.constant 0 : i32
    %select_n3A_113 = arith.select %gt3A_110, %jit3A_111, %jit3A_112 : i32
    %mul3A_114 = vector.broadcast %select_n3A_113 : i32 to vector<16xi32>
    %mul3A_115 = arith.muli %get3A_108, %mul3A_114 : vector<16xi32>
    %add3A_116 = arith.addi %add3A_102, %mul3A_115 : vector<16xi32>
    %add3A_117 = arith.addi %add3A_103, %get3A_108 : vector<16xi32>
    %get3A_118 = arith.constant 7 : i32
    %get3A_119 = arith.index_cast %get3A_118 : i32 to index
    %get3A_120 = arith.constant 0 : index
    %get3A_121 = tpu.vector_load %arg10[%get3A_119, %get3A_120] {strides = array<i32>} : memref<8x64xi32, #tpu.memory_space<vmem>>, vector<1x16xi32>,
    %get3A_122 = vector.shape_cast %get3A_121 : vector<1x16xi32> to vector<16xi32>
    %gt3A_123 = arith.constant 7 : i32
    %gt3A_124 = arith.cmpi sgt, %select_n3A, %gt3A_123 : i32
    %jit3A_125 = arith.constant 1 : i32
    %jit3A_126 = arith.constant 0 : i32
    %select_n3A_127 = arith.select %gt3A_124, %jit3A_125, %jit3A_126 : i32
    %mul3A_128 = vector.broadcast %select_n3A_127 : i32 to vector<16xi32>
    %mul3A_129 = arith.muli %get3A_122, %mul3A_128 : vector<16xi32>
    %add3A_130 = arith.addi %add3A_116, %mul3A_129 : vector<16xi32>
    %add3A_131 = arith.addi %add3A_117, %get3A_122 : vector<16xi32>
    %broadcast_in_dim3A_132 = arith.constant 0 : i32
    %broadcast_in_dim3A_133 = vector.broadcast %broadcast_in_dim3A_132 : i32 to vector<16xi32>
    %broadcast_in_dim3A_134 = arith.constant 0 : i32
    %broadcast_in_dim3A_135 = vector.broadcast %broadcast_in_dim3A_134 : i32 to vector<16xi32>
    %get3A_136 = arith.constant 0 : i32
    %get3A_137 = arith.index_cast %get3A_136 : i32 to index
    %get3A_138 = arith.constant 16 : index
    %get3A_139 = tpu.vector_load %arg10[%get3A_137, %get3A_138] {strides = array<i32>} : memref<8x64xi32, #tpu.memory_space<vmem>>, vector<1x16xi32>,
    %get3A_140 = vector.shape_cast %get3A_139 : vector<1x16xi32> to vector<16xi32>
    %gt3A_141 = arith.constant 0 : i32
    %gt3A_142 = arith.cmpi sgt, %select_n3A, %gt3A_141 : i32
    %jit3A_143 = arith.constant 1 : i32
    %jit3A_144 = arith.constant 0 : i32
    %select_n3A_145 = arith.select %gt3A_142, %jit3A_143, %jit3A_144 : i32
    %mul3A_146 = vector.broadcast %select_n3A_145 : i32 to vector<16xi32>
    %mul3A_147 = arith.muli %get3A_140, %mul3A_146 : vector<16xi32>
    %add3A_148 = arith.addi %broadcast_in_dim3A_133, %mul3A_147 : vector<16xi32>
    %add3A_149 = arith.addi %broadcast_in_dim3A_135, %get3A_140 : vector<16xi32>
    %get3A_150 = arith.constant 1 : i32
    %get3A_151 = arith.index_cast %get3A_150 : i32 to index
    %get3A_152 = arith.constant 16 : index
    %get3A_153 = tpu.vector_load %arg10[%get3A_151, %get3A_152] {strides = array<i32>} : memref<8x64xi32, #tpu.memory_space<vmem>>, vector<1x16xi32>,
    %get3A_154 = vector.shape_cast %get3A_153 : vector<1x16xi32> to vector<16xi32>
    %gt3A_155 = arith.constant 1 : i32
    %gt3A_156 = arith.cmpi sgt, %select_n3A, %gt3A_155 : i32
    %jit3A_157 = arith.constant 1 : i32
    %jit3A_158 = arith.constant 0 : i32
    %select_n3A_159 = arith.select %gt3A_156, %jit3A_157, %jit3A_158 : i32
    %mul3A_160 = vector.broadcast %select_n3A_159 : i32 to vector<16xi32>
    %mul3A_161 = arith.muli %get3A_154, %mul3A_160 : vector<16xi32>
    %add3A_162 = arith.addi %add3A_148, %mul3A_161 : vector<16xi32>
    %add3A_163 = arith.addi %add3A_149, %get3A_154 : vector<16xi32>
    %get3A_164 = arith.constant 2 : i32
    %get3A_165 = arith.index_cast %get3A_164 : i32 to index
    %get3A_166 = arith.constant 16 : index
    %get3A_167 = tpu.vector_load %arg10[%get3A_165, %get3A_166] {strides = array<i32>} : memref<8x64xi32, #tpu.memory_space<vmem>>, vector<1x16xi32>,
    %get3A_168 = vector.shape_cast %get3A_167 : vector<1x16xi32> to vector<16xi32>
    %gt3A_169 = arith.constant 2 : i32
    %gt3A_170 = arith.cmpi sgt, %select_n3A, %gt3A_169 : i32
    %jit3A_171 = arith.constant 1 : i32
    %jit3A_172 = arith.constant 0 : i32
    %select_n3A_173 = arith.select %gt3A_170, %jit3A_171, %jit3A_172 : i32
    %mul3A_174 = vector.broadcast %select_n3A_173 : i32 to vector<16xi32>
    %mul3A_175 = arith.muli %get3A_168, %mul3A_174 : vector<16xi32>
    %add3A_176 = arith.addi %add3A_162, %mul3A_175 : vector<16xi32>
    %add3A_177 = arith.addi %add3A_163, %get3A_168 : vector<16xi32>
    %get3A_178 = arith.constant 3 : i32
    %get3A_179 = arith.index_cast %get3A_178 : i32 to index
    %get3A_180 = arith.constant 16 : index
    %get3A_181 = tpu.vector_load %arg10[%get3A_179, %get3A_180] {strides = array<i32>} : memref<8x64xi32, #tpu.memory_space<vmem>>, vector<1x16xi32>,
    %get3A_182 = vector.shape_cast %get3A_181 : vector<1x16xi32> to vector<16xi32>
    %gt3A_183 = arith.constant 3 : i32
    %gt3A_184 = arith.cmpi sgt, %select_n3A, %gt3A_183 : i32
    %jit3A_185 = arith.constant 1 : i32
    %jit3A_186 = arith.constant 0 : i32
    %select_n3A_187 = arith.select %gt3A_184, %jit3A_185, %jit3A_186 : i32
    %mul3A_188 = vector.broadcast %select_n3A_187 : i32 to vector<16xi32>
    %mul3A_189 = arith.muli %get3A_182, %mul3A_188 : vector<16xi32>
    %add3A_190 = arith.addi %add3A_176, %mul3A_189 : vector<16xi32>
    %add3A_191 = arith.addi %add3A_177, %get3A_182 : vector<16xi32>
    %get3A_192 = arith.constant 4 : i32
    %get3A_193 = arith.index_cast %get3A_192 : i32 to index
    %get3A_194 = arith.constant 16 : index
    %get3A_195 = tpu.vector_load %arg10[%get3A_193, %get3A_194] {strides = array<i32>} : memref<8x64xi32, #tpu.memory_space<vmem>>, vector<1x16xi32>,
    %get3A_196 = vector.shape_cast %get3A_195 : vector<1x16xi32> to vector<16xi32>
    %gt3A_197 = arith.constant 4 : i32
    %gt3A_198 = arith.cmpi sgt, %select_n3A, %gt3A_197 : i32
    %jit3A_199 = arith.constant 1 : i32
    %jit3A_200 = arith.constant 0 : i32
    %select_n3A_201 = arith.select %gt3A_198, %jit3A_199, %jit3A_200 : i32
    %mul3A_202 = vector.broadcast %select_n3A_201 : i32 to vector<16xi32>
    %mul3A_203 = arith.muli %get3A_196, %mul3A_202 : vector<16xi32>
    %add3A_204 = arith.addi %add3A_190, %mul3A_203 : vector<16xi32>
    %add3A_205 = arith.addi %add3A_191, %get3A_196 : vector<16xi32>
    %get3A_206 = arith.constant 5 : i32
    %get3A_207 = arith.index_cast %get3A_206 : i32 to index
    %get3A_208 = arith.constant 16 : index
    %get3A_209 = tpu.vector_load %arg10[%get3A_207, %get3A_208] {strides = array<i32>} : memref<8x64xi32, #tpu.memory_space<vmem>>, vector<1x16xi32>,
    %get3A_210 = vector.shape_cast %get3A_209 : vector<1x16xi32> to vector<16xi32>
    %gt3A_211 = arith.constant 5 : i32
    %gt3A_212 = arith.cmpi sgt, %select_n3A, %gt3A_211 : i32
    %jit3A_213 = arith.constant 1 : i32
    %jit3A_214 = arith.constant 0 : i32
    %select_n3A_215 = arith.select %gt3A_212, %jit3A_213, %jit3A_214 : i32
    %mul3A_216 = vector.broadcast %select_n3A_215 : i32 to vector<16xi32>
    %mul3A_217 = arith.muli %get3A_210, %mul3A_216 : vector<16xi32>
    %add3A_218 = arith.addi %add3A_204, %mul3A_217 : vector<16xi32>
    %add3A_219 = arith.addi %add3A_205, %get3A_210 : vector<16xi32>
    %get3A_220 = arith.constant 6 : i32
    %get3A_221 = arith.index_cast %get3A_220 : i32 to index
    %get3A_222 = arith.constant 16 : index
    %get3A_223 = tpu.vector_load %arg10[%get3A_221, %get3A_222] {strides = array<i32>} : memref<8x64xi32, #tpu.memory_space<vmem>>, vector<1x16xi32>,
    %get3A_224 = vector.shape_cast %get3A_223 : vector<1x16xi32> to vector<16xi32>
    %gt3A_225 = arith.constant 6 : i32
    %gt3A_226 = arith.cmpi sgt, %select_n3A, %gt3A_225 : i32
    %jit3A_227 = arith.constant 1 : i32
    %jit3A_228 = arith.constant 0 : i32
    %select_n3A_229 = arith.select %gt3A_226, %jit3A_227, %jit3A_228 : i32
    %mul3A_230 = vector.broadcast %select_n3A_229 : i32 to vector<16xi32>
    %mul3A_231 = arith.muli %get3A_224, %mul3A_230 : vector<16xi32>
    %add3A_232 = arith.addi %add3A_218, %mul3A_231 : vector<16xi32>
    %add3A_233 = arith.addi %add3A_219, %get3A_224 : vector<16xi32>
    %get3A_234 = arith.constant 7 : i32
    %get3A_235 = arith.index_cast %get3A_234 : i32 to index
    %get3A_236 = arith.constant 16 : index
    %get3A_237 = tpu.vector_load %arg10[%get3A_235, %get3A_236] {strides = array<i32>} : memref<8x64xi32, #tpu.memory_space<vmem>>, vector<1x16xi32>,
    %get3A_238 = vector.shape_cast %get3A_237 : vector<1x16xi32> to vector<16xi32>
    %gt3A_239 = arith.constant 7 : i32
    %gt3A_240 = arith.cmpi sgt, %select_n3A, %gt3A_239 : i32
    %jit3A_241 = arith.constant 1 : i32
    %jit3A_242 = arith.constant 0 : i32
    %select_n3A_243 = arith.select %gt3A_240, %jit3A_241, %jit3A_242 : i32
    %mul3A_244 = vector.broadcast %select_n3A_243 : i32 to vector<16xi32>
    %mul3A_245 = arith.muli %get3A_238, %mul3A_244 : vector<16xi32>
    %add3A_246 = arith.addi %add3A_232, %mul3A_245 : vector<16xi32>
    %add3A_247 = arith.addi %add3A_233, %get3A_238 : vector<16xi32>
    %broadcast_in_dim3A_248 = arith.constant 0 : i32
    %broadcast_in_dim3A_249 = vector.broadcast %broadcast_in_dim3A_248 : i32 to vector<16xi32>
    %broadcast_in_dim3A_250 = arith.constant 0 : i32
    %broadcast_in_dim3A_251 = vector.broadcast %broadcast_in_dim3A_250 : i32 to vector<16xi32>
    %get3A_252 = arith.constant 0 : i32
    %get3A_253 = arith.index_cast %get3A_252 : i32 to index
    %get3A_254 = arith.constant 32 : index
    %get3A_255 = tpu.vector_load %arg10[%get3A_253, %get3A_254] {strides = array<i32>} : memref<8x64xi32, #tpu.memory_space<vmem>>, vector<1x16xi32>,
    %get3A_256 = vector.shape_cast %get3A_255 : vector<1x16xi32> to vector<16xi32>
    %gt3A_257 = arith.constant 0 : i32
    %gt3A_258 = arith.cmpi sgt, %select_n3A, %gt3A_257 : i32
    %jit3A_259 = arith.constant 1 : i32
    %jit3A_260 = arith.constant 0 : i32
    %select_n3A_261 = arith.select %gt3A_258, %jit3A_259, %jit3A_260 : i32
    %mul3A_262 = vector.broadcast %select_n3A_261 : i32 to vector<16xi32>
    %mul3A_263 = arith.muli %get3A_256, %mul3A_262 : vector<16xi32>
    %add3A_264 = arith.addi %broadcast_in_dim3A_249, %mul3A_263 : vector<16xi32>
    %add3A_265 = arith.addi %broadcast_in_dim3A_251, %get3A_256 : vector<16xi32>
    %get3A_266 = arith.constant 1 : i32
    %get3A_267 = arith.index_cast %get3A_266 : i32 to index
    %get3A_268 = arith.constant 32 : index
    %get3A_269 = tpu.vector_load %arg10[%get3A_267, %get3A_268] {strides = array<i32>} : memref<8x64xi32, #tpu.memory_space<vmem>>, vector<1x16xi32>,
    %get3A_270 = vector.shape_cast %get3A_269 : vector<1x16xi32> to vector<16xi32>
    %gt3A_271 = arith.constant 1 : i32
    %gt3A_272 = arith.cmpi sgt, %select_n3A, %gt3A_271 : i32
    %jit3A_273 = arith.constant 1 : i32
    %jit3A_274 = arith.constant 0 : i32
    %select_n3A_275 = arith.select %gt3A_272, %jit3A_273, %jit3A_274 : i32
    %mul3A_276 = vector.broadcast %select_n3A_275 : i32 to vector<16xi32>
    %mul3A_277 = arith.muli %get3A_270, %mul3A_276 : vector<16xi32>
    %add3A_278 = arith.addi %add3A_264, %mul3A_277 : vector<16xi32>
    %add3A_279 = arith.addi %add3A_265, %get3A_270 : vector<16xi32>
    %get3A_280 = arith.constant 2 : i32
    %get3A_281 = arith.index_cast %get3A_280 : i32 to index
    %get3A_282 = arith.constant 32 : index
    %get3A_283 = tpu.vector_load %arg10[%get3A_281, %get3A_282] {strides = array<i32>} : memref<8x64xi32, #tpu.memory_space<vmem>>, vector<1x16xi32>,
    %get3A_284 = vector.shape_cast %get3A_283 : vector<1x16xi32> to vector<16xi32>
    %gt3A_285 = arith.constant 2 : i32
    %gt3A_286 = arith.cmpi sgt, %select_n3A, %gt3A_285 : i32
    %jit3A_287 = arith.constant 1 : i32
    %jit3A_288 = arith.constant 0 : i32
    %select_n3A_289 = arith.select %gt3A_286, %jit3A_287, %jit3A_288 : i32
    %mul3A_290 = vector.broadcast %select_n3A_289 : i32 to vector<16xi32>
    %mul3A_291 = arith.muli %get3A_284, %mul3A_290 : vector<16xi32>
    %add3A_292 = arith.addi %add3A_278, %mul3A_291 : vector<16xi32>
    %add3A_293 = arith.addi %add3A_279, %get3A_284 : vector<16xi32>
    %get3A_294 = arith.constant 3 : i32
    %get3A_295 = arith.index_cast %get3A_294 : i32 to index
    %get3A_296 = arith.constant 32 : index
    %get3A_297 = tpu.vector_load %arg10[%get3A_295, %get3A_296] {strides = array<i32>} : memref<8x64xi32, #tpu.memory_space<vmem>>, vector<1x16xi32>,
    %get3A_298 = vector.shape_cast %get3A_297 : vector<1x16xi32> to vector<16xi32>
    %gt3A_299 = arith.constant 3 : i32
    %gt3A_300 = arith.cmpi sgt, %select_n3A, %gt3A_299 : i32
    %jit3A_301 = arith.constant 1 : i32
    %jit3A_302 = arith.constant 0 : i32
    %select_n3A_303 = arith.select %gt3A_300, %jit3A_301, %jit3A_302 : i32
    %mul3A_304 = vector.broadcast %select_n3A_303 : i32 to vector<16xi32>
    %mul3A_305 = arith.muli %get3A_298, %mul3A_304 : vector<16xi32>
    %add3A_306 = arith.addi %add3A_292, %mul3A_305 : vector<16xi32>
    %add3A_307 = arith.addi %add3A_293, %get3A_298 : vector<16xi32>
    %get3A_308 = arith.constant 4 : i32
    %get3A_309 = arith.index_cast %get3A_308 : i32 to index
    %get3A_310 = arith.constant 32 : index
    %get3A_311 = tpu.vector_load %arg10[%get3A_309, %get3A_310] {strides = array<i32>} : memref<8x64xi32, #tpu.memory_space<vmem>>, vector<1x16xi32>,
    %get3A_312 = vector.shape_cast %get3A_311 : vector<1x16xi32> to vector<16xi32>
    %gt3A_313 = arith.constant 4 : i32
    %gt3A_314 = arith.cmpi sgt, %select_n3A, %gt3A_313 : i32
    %jit3A_315 = arith.constant 1 : i32
    %jit3A_316 = arith.constant 0 : i32
    %select_n3A_317 = arith.select %gt3A_314, %jit3A_315, %jit3A_316 : i32
    %mul3A_318 = vector.broadcast %select_n3A_317 : i32 to vector<16xi32>
    %mul3A_319 = arith.muli %get3A_312, %mul3A_318 : vector<16xi32>
    %add3A_320 = arith.addi %add3A_306, %mul3A_319 : vector<16xi32>
    %add3A_321 = arith.addi %add3A_307, %get3A_312 : vector<16xi32>
    %get3A_322 = arith.constant 5 : i32
    %get3A_323 = arith.index_cast %get3A_322 : i32 to index
    %get3A_324 = arith.constant 32 : index
    %get3A_325 = tpu.vector_load %arg10[%get3A_323, %get3A_324] {strides = array<i32>} : memref<8x64xi32, #tpu.memory_space<vmem>>, vector<1x16xi32>,
    %get3A_326 = vector.shape_cast %get3A_325 : vector<1x16xi32> to vector<16xi32>
    %gt3A_327 = arith.constant 5 : i32
    %gt3A_328 = arith.cmpi sgt, %select_n3A, %gt3A_327 : i32
    %jit3A_329 = arith.constant 1 : i32
    %jit3A_330 = arith.constant 0 : i32
    %select_n3A_331 = arith.select %gt3A_328, %jit3A_329, %jit3A_330 : i32
    %mul3A_332 = vector.broadcast %select_n3A_331 : i32 to vector<16xi32>
    %mul3A_333 = arith.muli %get3A_326, %mul3A_332 : vector<16xi32>
    %add3A_334 = arith.addi %add3A_320, %mul3A_333 : vector<16xi32>
    %add3A_335 = arith.addi %add3A_321, %get3A_326 : vector<16xi32>
    %get3A_336 = arith.constant 6 : i32
    %get3A_337 = arith.index_cast %get3A_336 : i32 to index
    %get3A_338 = arith.constant 32 : index
    %get3A_339 = tpu.vector_load %arg10[%get3A_337, %get3A_338] {strides = array<i32>} : memref<8x64xi32, #tpu.memory_space<vmem>>, vector<1x16xi32>,
    %get3A_340 = vector.shape_cast %get3A_339 : vector<1x16xi32> to vector<16xi32>
    %gt3A_341 = arith.constant 6 : i32
    %gt3A_342 = arith.cmpi sgt, %select_n3A, %gt3A_341 : i32
    %jit3A_343 = arith.constant 1 : i32
    %jit3A_344 = arith.constant 0 : i32
    %select_n3A_345 = arith.select %gt3A_342, %jit3A_343, %jit3A_344 : i32
    %mul3A_346 = vector.broadcast %select_n3A_345 : i32 to vector<16xi32>
    %mul3A_347 = arith.muli %get3A_340, %mul3A_346 : vector<16xi32>
    %add3A_348 = arith.addi %add3A_334, %mul3A_347 : vector<16xi32>
    %add3A_349 = arith.addi %add3A_335, %get3A_340 : vector<16xi32>
    %get3A_350 = arith.constant 7 : i32
    %get3A_351 = arith.index_cast %get3A_350 : i32 to index
    %get3A_352 = arith.constant 32 : index
    %get3A_353 = tpu.vector_load %arg10[%get3A_351, %get3A_352] {strides = array<i32>} : memref<8x64xi32, #tpu.memory_space<vmem>>, vector<1x16xi32>,
    %get3A_354 = vector.shape_cast %get3A_353 : vector<1x16xi32> to vector<16xi32>
    %gt3A_355 = arith.constant 7 : i32
    %gt3A_356 = arith.cmpi sgt, %select_n3A, %gt3A_355 : i32
    %jit3A_357 = arith.constant 1 : i32
    %jit3A_358 = arith.constant 0 : i32
    %select_n3A_359 = arith.select %gt3A_356, %jit3A_357, %jit3A_358 : i32
    %mul3A_360 = vector.broadcast %select_n3A_359 : i32 to vector<16xi32>
    %mul3A_361 = arith.muli %get3A_354, %mul3A_360 : vector<16xi32>
    %add3A_362 = arith.addi %add3A_348, %mul3A_361 : vector<16xi32>
    %add3A_363 = arith.addi %add3A_349, %get3A_354 : vector<16xi32>
    %broadcast_in_dim3A_364 = arith.constant 0 : i32
    %broadcast_in_dim3A_365 = vector.broadcast %broadcast_in_dim3A_364 : i32 to vector<16xi32>
    %broadcast_in_dim3A_366 = arith.constant 0 : i32
    %broadcast_in_dim3A_367 = vector.broadcast %broadcast_in_dim3A_366 : i32 to vector<16xi32>
    %get3A_368 = arith.constant 0 : i32
    %get3A_369 = arith.index_cast %get3A_368 : i32 to index
    %get3A_370 = arith.constant 48 : index
    %get3A_371 = tpu.vector_load %arg10[%get3A_369, %get3A_370] {strides = array<i32>} : memref<8x64xi32, #tpu.memory_space<vmem>>, vector<1x16xi32>,
    %get3A_372 = vector.shape_cast %get3A_371 : vector<1x16xi32> to vector<16xi32>
    %gt3A_373 = arith.constant 0 : i32
    %gt3A_374 = arith.cmpi sgt, %select_n3A, %gt3A_373 : i32
    %jit3A_375 = arith.constant 1 : i32
    %jit3A_376 = arith.constant 0 : i32
    %select_n3A_377 = arith.select %gt3A_374, %jit3A_375, %jit3A_376 : i32
    %mul3A_378 = vector.broadcast %select_n3A_377 : i32 to vector<16xi32>
    %mul3A_379 = arith.muli %get3A_372, %mul3A_378 : vector<16xi32>
    %add3A_380 = arith.addi %broadcast_in_dim3A_365, %mul3A_379 : vector<16xi32>
    %add3A_381 = arith.addi %broadcast_in_dim3A_367, %get3A_372 : vector<16xi32>
    %get3A_382 = arith.constant 1 : i32
    %get3A_383 = arith.index_cast %get3A_382 : i32 to index
    %get3A_384 = arith.constant 48 : index
    %get3A_385 = tpu.vector_load %arg10[%get3A_383, %get3A_384] {strides = array<i32>} : memref<8x64xi32, #tpu.memory_space<vmem>>, vector<1x16xi32>,
    %get3A_386 = vector.shape_cast %get3A_385 : vector<1x16xi32> to vector<16xi32>
    %gt3A_387 = arith.constant 1 : i32
    %gt3A_388 = arith.cmpi sgt, %select_n3A, %gt3A_387 : i32
    %jit3A_389 = arith.constant 1 : i32
    %jit3A_390 = arith.constant 0 : i32
    %select_n3A_391 = arith.select %gt3A_388, %jit3A_389, %jit3A_390 : i32
    %mul3A_392 = vector.broadcast %select_n3A_391 : i32 to vector<16xi32>
    %mul3A_393 = arith.muli %get3A_386, %mul3A_392 : vector<16xi32>
    %add3A_394 = arith.addi %add3A_380, %mul3A_393 : vector<16xi32>
    %add3A_395 = arith.addi %add3A_381, %get3A_386 : vector<16xi32>
    %get3A_396 = arith.constant 2 : i32
    %get3A_397 = arith.index_cast %get3A_396 : i32 to index
    %get3A_398 = arith.constant 48 : index
    %get3A_399 = tpu.vector_load %arg10[%get3A_397, %get3A_398] {strides = array<i32>} : memref<8x64xi32, #tpu.memory_space<vmem>>, vector<1x16xi32>,
    %get3A_400 = vector.shape_cast %get3A_399 : vector<1x16xi32> to vector<16xi32>
    %gt3A_401 = arith.constant 2 : i32
    %gt3A_402 = arith.cmpi sgt, %select_n3A, %gt3A_401 : i32
    %jit3A_403 = arith.constant 1 : i32
    %jit3A_404 = arith.constant 0 : i32
    %select_n3A_405 = arith.select %gt3A_402, %jit3A_403, %jit3A_404 : i32
    %mul3A_406 = vector.broadcast %select_n3A_405 : i32 to vector<16xi32>
    %mul3A_407 = arith.muli %get3A_400, %mul3A_406 : vector<16xi32>
    %add3A_408 = arith.addi %add3A_394, %mul3A_407 : vector<16xi32>
    %add3A_409 = arith.addi %add3A_395, %get3A_400 : vector<16xi32>
    %get3A_410 = arith.constant 3 : i32
    %get3A_411 = arith.index_cast %get3A_410 : i32 to index
    %get3A_412 = arith.constant 48 : index
    %get3A_413 = tpu.vector_load %arg10[%get3A_411, %get3A_412] {strides = array<i32>} : memref<8x64xi32, #tpu.memory_space<vmem>>, vector<1x16xi32>,
    %get3A_414 = vector.shape_cast %get3A_413 : vector<1x16xi32> to vector<16xi32>
    %gt3A_415 = arith.constant 3 : i32
    %gt3A_416 = arith.cmpi sgt, %select_n3A, %gt3A_415 : i32
    %jit3A_417 = arith.constant 1 : i32
    %jit3A_418 = arith.constant 0 : i32
    %select_n3A_419 = arith.select %gt3A_416, %jit3A_417, %jit3A_418 : i32
    %mul3A_420 = vector.broadcast %select_n3A_419 : i32 to vector<16xi32>
    %mul3A_421 = arith.muli %get3A_414, %mul3A_420 : vector<16xi32>
    %add3A_422 = arith.addi %add3A_408, %mul3A_421 : vector<16xi32>
    %add3A_423 = arith.addi %add3A_409, %get3A_414 : vector<16xi32>
    %get3A_424 = arith.constant 4 : i32
    %get3A_425 = arith.index_cast %get3A_424 : i32 to index
    %get3A_426 = arith.constant 48 : index
    %get3A_427 = tpu.vector_load %arg10[%get3A_425, %get3A_426] {strides = array<i32>} : memref<8x64xi32, #tpu.memory_space<vmem>>, vector<1x16xi32>,
    %get3A_428 = vector.shape_cast %get3A_427 : vector<1x16xi32> to vector<16xi32>
    %gt3A_429 = arith.constant 4 : i32
    %gt3A_430 = arith.cmpi sgt, %select_n3A, %gt3A_429 : i32
    %jit3A_431 = arith.constant 1 : i32
    %jit3A_432 = arith.constant 0 : i32
    %select_n3A_433 = arith.select %gt3A_430, %jit3A_431, %jit3A_432 : i32
    %mul3A_434 = vector.broadcast %select_n3A_433 : i32 to vector<16xi32>
    %mul3A_435 = arith.muli %get3A_428, %mul3A_434 : vector<16xi32>
    %add3A_436 = arith.addi %add3A_422, %mul3A_435 : vector<16xi32>
    %add3A_437 = arith.addi %add3A_423, %get3A_428 : vector<16xi32>
    %get3A_438 = arith.constant 5 : i32
    %get3A_439 = arith.index_cast %get3A_438 : i32 to index
    %get3A_440 = arith.constant 48 : index
    %get3A_441 = tpu.vector_load %arg10[%get3A_439, %get3A_440] {strides = array<i32>} : memref<8x64xi32, #tpu.memory_space<vmem>>, vector<1x16xi32>,
    %get3A_442 = vector.shape_cast %get3A_441 : vector<1x16xi32> to vector<16xi32>
    %gt3A_443 = arith.constant 5 : i32
    %gt3A_444 = arith.cmpi sgt, %select_n3A, %gt3A_443 : i32
    %jit3A_445 = arith.constant 1 : i32
    %jit3A_446 = arith.constant 0 : i32
    %select_n3A_447 = arith.select %gt3A_444, %jit3A_445, %jit3A_446 : i32
    %mul3A_448 = vector.broadcast %select_n3A_447 : i32 to vector<16xi32>
    %mul3A_449 = arith.muli %get3A_442, %mul3A_448 : vector<16xi32>
    %add3A_450 = arith.addi %add3A_436, %mul3A_449 : vector<16xi32>
    %add3A_451 = arith.addi %add3A_437, %get3A_442 : vector<16xi32>
    %get3A_452 = arith.constant 6 : i32
    %get3A_453 = arith.index_cast %get3A_452 : i32 to index
    %get3A_454 = arith.constant 48 : index
    %get3A_455 = tpu.vector_load %arg10[%get3A_453, %get3A_454] {strides = array<i32>} : memref<8x64xi32, #tpu.memory_space<vmem>>, vector<1x16xi32>,
    %get3A_456 = vector.shape_cast %get3A_455 : vector<1x16xi32> to vector<16xi32>
    %gt3A_457 = arith.constant 6 : i32
    %gt3A_458 = arith.cmpi sgt, %select_n3A, %gt3A_457 : i32
    %jit3A_459 = arith.constant 1 : i32
    %jit3A_460 = arith.constant 0 : i32
    %select_n3A_461 = arith.select %gt3A_458, %jit3A_459, %jit3A_460 : i32
    %mul3A_462 = vector.broadcast %select_n3A_461 : i32 to vector<16xi32>
    %mul3A_463 = arith.muli %get3A_456, %mul3A_462 : vector<16xi32>
    %add3A_464 = arith.addi %add3A_450, %mul3A_463 : vector<16xi32>
    %add3A_465 = arith.addi %add3A_451, %get3A_456 : vector<16xi32>
    %get3A_466 = arith.constant 7 : i32
    %get3A_467 = arith.index_cast %get3A_466 : i32 to index
    %get3A_468 = arith.constant 48 : index
    %get3A_469 = tpu.vector_load %arg10[%get3A_467, %get3A_468] {strides = array<i32>} : memref<8x64xi32, #tpu.memory_space<vmem>>, vector<1x16xi32>,
    %get3A_470 = vector.shape_cast %get3A_469 : vector<1x16xi32> to vector<16xi32>
    %gt3A_471 = arith.constant 7 : i32
    %gt3A_472 = arith.cmpi sgt, %select_n3A, %gt3A_471 : i32
    %jit3A_473 = arith.constant 1 : i32
    %jit3A_474 = arith.constant 0 : i32
    %select_n3A_475 = arith.select %gt3A_472, %jit3A_473, %jit3A_474 : i32
    %mul3A_476 = vector.broadcast %select_n3A_475 : i32 to vector<16xi32>
    %mul3A_477 = arith.muli %get3A_470, %mul3A_476 : vector<16xi32>
    %add3A_478 = arith.addi %add3A_464, %mul3A_477 : vector<16xi32>
    %add3A_479 = arith.addi %add3A_465, %get3A_470 : vector<16xi32>
    %get3A_480 = arith.constant 0 : index
    %get3A_481 = tpu.vector_load %arg7[%get3A_480] {strides = array<i32>} : memref<128xi32, #tpu.memory_space<vmem>>, vector<16xi32>,
    %get3A_482 = vector.shape_cast %get3A_481 : vector<16xi32> to vector<16xi32>
    %broadcast_in_dim3A_483 = arith.constant 0 : i32
    %broadcast_in_dim3A_484 = vector.broadcast %broadcast_in_dim3A_483 : i32 to vector<16xi32>
    %sub3A_485 = arith.constant 0 : i32
    %sub3A_486 = vector.broadcast %sub3A_485 : i32 to vector<16xi32>
    %sub3A_487 = arith.subi %get3A_482, %sub3A_486 : vector<16xi32>
    %jit3A_488 = arith.constant 0 : i32
    %jit3A_489 = arith.constant 15 : i32
    %max3A = vector.broadcast %jit3A_488 : i32 to vector<16xi32>
    %max3A_490 = arith.maxsi %max3A, %sub3A_487 : vector<16xi32>
    %min3A = vector.broadcast %jit3A_489 : i32 to vector<16xi32>
    %min3A_491 = arith.minsi %min3A, %max3A_490 : vector<16xi32>
    %lt3A = arith.constant 0 : i32
    %lt3A_492 = vector.broadcast %lt3A : i32 to vector<16xi32>
    %lt3A_493 = arith.cmpi slt, %min3A_491, %lt3A_492 : vector<16xi32>
    %add3A_494 = arith.constant 16 : i32
    %add3A_495 = vector.broadcast %add3A_494 : i32 to vector<16xi32>
    %add3A_496 = arith.addi %min3A_491, %add3A_495 : vector<16xi32>
    %select_n3A_497 = arith.select %lt3A_493, %add3A_496, %min3A_491 : vector<16xi1>, vector<16xi32>
    %broadcast_in_dim3A_498 = vector.shape_cast %select_n3A_497 : vector<16xi32> to vector<16x1xi32>
    %gather3A = vector.shape_cast %broadcast_in_dim3A_498 : vector<16x1xi32> to vector<16xi32>
    %gather3A_499 = tpu.dynamic_gather %add3A_130[%gather3A] in [0] : vector<16xi32>, vector<16xi32> -> vector<16xi32>
    %ge3A = arith.constant 0 : i32
    %ge3A_500 = vector.broadcast %ge3A : i32 to vector<16xi32>
    %ge3A_501 = arith.cmpi sge, %get3A_482, %ge3A_500 : vector<16xi32>
    %lt3A_502 = arith.constant 16 : i32
    %lt3A_503 = vector.broadcast %lt3A_502 : i32 to vector<16xi32>
    %lt3A_504 = arith.cmpi slt, %get3A_482, %lt3A_503 : vector<16xi32>
    %and3A_505 = arith.andi %ge3A_501, %lt3A_504 : vector<16xi1>
    %select_n3A_506 = arith.select %and3A_505, %gather3A_499, %broadcast_in_dim3A_484 : vector<16xi1>, vector<16xi32>
    %sub3A_507 = arith.constant 16 : i32
    %sub3A_508 = vector.broadcast %sub3A_507 : i32 to vector<16xi32>
    %sub3A_509 = arith.subi %get3A_482, %sub3A_508 : vector<16xi32>
    %jit3A_510 = arith.constant 0 : i32
    %jit3A_511 = arith.constant 15 : i32
    %max3A_512 = vector.broadcast %jit3A_510 : i32 to vector<16xi32>
    %max3A_513 = arith.maxsi %max3A_512, %sub3A_509 : vector<16xi32>
    %min3A_514 = vector.broadcast %jit3A_511 : i32 to vector<16xi32>
    %min3A_515 = arith.minsi %min3A_514, %max3A_513 : vector<16xi32>
    %lt3A_516 = arith.constant 0 : i32
    %lt3A_517 = vector.broadcast %lt3A_516 : i32 to vector<16xi32>
    %lt3A_518 = arith.cmpi slt, %min3A_515, %lt3A_517 : vector<16xi32>
    %add3A_519 = arith.constant 16 : i32
    %add3A_520 = vector.broadcast %add3A_519 : i32 to vector<16xi32>
    %add3A_521 = arith.addi %min3A_515, %add3A_520 : vector<16xi32>
    %select_n3A_522 = arith.select %lt3A_518, %add3A_521, %min3A_515 : vector<16xi1>, vector<16xi32>
    %broadcast_in_dim3A_523 = vector.shape_cast %select_n3A_522 : vector<16xi32> to vector<16x1xi32>
    %gather3A_524 = vector.shape_cast %broadcast_in_dim3A_523 : vector<16x1xi32> to vector<16xi32>
    %gather3A_525 = tpu.dynamic_gather %add3A_246[%gather3A_524] in [0] : vector<16xi32>, vector<16xi32> -> vector<16xi32>
    %ge3A_526 = arith.constant 16 : i32
    %ge3A_527 = vector.broadcast %ge3A_526 : i32 to vector<16xi32>
    %ge3A_528 = arith.cmpi sge, %get3A_482, %ge3A_527 : vector<16xi32>
    %lt3A_529 = arith.constant 32 : i32
    %lt3A_530 = vector.broadcast %lt3A_529 : i32 to vector<16xi32>
    %lt3A_531 = arith.cmpi slt, %get3A_482, %lt3A_530 : vector<16xi32>
    %and3A_532 = arith.andi %ge3A_528, %lt3A_531 : vector<16xi1>
    %select_n3A_533 = arith.select %and3A_532, %gather3A_525, %select_n3A_506 : vector<16xi1>, vector<16xi32>
    %sub3A_534 = arith.constant 32 : i32
    %sub3A_535 = vector.broadcast %sub3A_534 : i32 to vector<16xi32>
    %sub3A_536 = arith.subi %get3A_482, %sub3A_535 : vector<16xi32>
    %jit3A_537 = arith.constant 0 : i32
    %jit3A_538 = arith.constant 15 : i32
    %max3A_539 = vector.broadcast %jit3A_537 : i32 to vector<16xi32>
    %max3A_540 = arith.maxsi %max3A_539, %sub3A_536 : vector<16xi32>
    %min3A_541 = vector.broadcast %jit3A_538 : i32 to vector<16xi32>
    %min3A_542 = arith.minsi %min3A_541, %max3A_540 : vector<16xi32>
    %lt3A_543 = arith.constant 0 : i32
    %lt3A_544 = vector.broadcast %lt3A_543 : i32 to vector<16xi32>
    %lt3A_545 = arith.cmpi slt, %min3A_542, %lt3A_544 : vector<16xi32>
    %add3A_546 = arith.constant 16 : i32
    %add3A_547 = vector.broadcast %add3A_546 : i32 to vector<16xi32>
    %add3A_548 = arith.addi %min3A_542, %add3A_547 : vector<16xi32>
    %select_n3A_549 = arith.select %lt3A_545, %add3A_548, %min3A_542 : vector<16xi1>, vector<16xi32>
    %broadcast_in_dim3A_550 = vector.shape_cast %select_n3A_549 : vector<16xi32> to vector<16x1xi32>
    %gather3A_551 = vector.shape_cast %broadcast_in_dim3A_550 : vector<16x1xi32> to vector<16xi32>
    %gather3A_552 = tpu.dynamic_gather %add3A_362[%gather3A_551] in [0] : vector<16xi32>, vector<16xi32> -> vector<16xi32>
    %ge3A_553 = arith.constant 32 : i32
    %ge3A_554 = vector.broadcast %ge3A_553 : i32 to vector<16xi32>
    %ge3A_555 = arith.cmpi sge, %get3A_482, %ge3A_554 : vector<16xi32>
    %lt3A_556 = arith.constant 48 : i32
    %lt3A_557 = vector.broadcast %lt3A_556 : i32 to vector<16xi32>
    %lt3A_558 = arith.cmpi slt, %get3A_482, %lt3A_557 : vector<16xi32>
    %and3A_559 = arith.andi %ge3A_555, %lt3A_558 : vector<16xi1>
    %select_n3A_560 = arith.select %and3A_559, %gather3A_552, %select_n3A_533 : vector<16xi1>, vector<16xi32>
    %sub3A_561 = arith.constant 48 : i32
    %sub3A_562 = vector.broadcast %sub3A_561 : i32 to vector<16xi32>
    %sub3A_563 = arith.subi %get3A_482, %sub3A_562 : vector<16xi32>
    %jit3A_564 = arith.constant 0 : i32
    %jit3A_565 = arith.constant 15 : i32
    %max3A_566 = vector.broadcast %jit3A_564 : i32 to vector<16xi32>
    %max3A_567 = arith.maxsi %max3A_566, %sub3A_563 : vector<16xi32>
    %min3A_568 = vector.broadcast %jit3A_565 : i32 to vector<16xi32>
    %min3A_569 = arith.minsi %min3A_568, %max3A_567 : vector<16xi32>
    %lt3A_570 = arith.constant 0 : i32
    %lt3A_571 = vector.broadcast %lt3A_570 : i32 to vector<16xi32>
    %lt3A_572 = arith.cmpi slt, %min3A_569, %lt3A_571 : vector<16xi32>
    %add3A_573 = arith.constant 16 : i32
    %add3A_574 = vector.broadcast %add3A_573 : i32 to vector<16xi32>
    %add3A_575 = arith.addi %min3A_569, %add3A_574 : vector<16xi32>
    %select_n3A_576 = arith.select %lt3A_572, %add3A_575, %min3A_569 : vector<16xi1>, vector<16xi32>
    %broadcast_in_dim3A_577 = vector.shape_cast %select_n3A_576 : vector<16xi32> to vector<16x1xi32>
    %gather3A_578 = vector.shape_cast %broadcast_in_dim3A_577 : vector<16x1xi32> to vector<16xi32>
    %gather3A_579 = tpu.dynamic_gather %add3A_478[%gather3A_578] in [0] : vector<16xi32>, vector<16xi32> -> vector<16xi32>
    %ge3A_580 = arith.constant 48 : i32
    %ge3A_581 = vector.broadcast %ge3A_580 : i32 to vector<16xi32>
    %ge3A_582 = arith.cmpi sge, %get3A_482, %ge3A_581 : vector<16xi32>
    %lt3A_583 = arith.constant 64 : i32
    %lt3A_584 = vector.broadcast %lt3A_583 : i32 to vector<16xi32>
    %lt3A_585 = arith.cmpi slt, %get3A_482, %lt3A_584 : vector<16xi32>
    %and3A_586 = arith.andi %ge3A_582, %lt3A_585 : vector<16xi1>
    %select_n3A_587 = arith.select %and3A_586, %gather3A_579, %select_n3A_560 : vector<16xi1>, vector<16xi32>
    %get3A_588 = arith.constant 0 : index
    %get3A_589 = tpu.vector_load %arg8[%get3A_588] {strides = array<i32>} : memref<128xi32, #tpu.memory_space<vmem>>, vector<16xi32>,
    %get3A_590 = vector.shape_cast %get3A_589 : vector<16xi32> to vector<16xi32>
    %add3A_591 = arith.addi %get3A_590, %select_n3A_587 : vector<16xi32>
    %swap3A = arith.constant 0 : index
    %swap3A_592 = tpu.vector_load %arg9[%swap3A] {strides = array<i32>} : memref<128xi32, #tpu.memory_space<vmem>>, vector<16xi32>,
    %swap3A_593 = vector.shape_cast %swap3A_592 : vector<16xi32> to vector<16xi32>
    %swap3A_594 = vector.shape_cast %add3A_591 : vector<16xi32> to vector<16xi32>
    tpu.vector_store %arg9[%swap3A], %swap3A_594 {strides = array<i32>} : memref<128xi32, #tpu.memory_space<vmem>>, vector<16xi32>,
    %get3A_595 = arith.constant 16 : index
    %get3A_596 = tpu.vector_load %arg7[%get3A_595] {strides = array<i32>} : memref<128xi32, #tpu.memory_space<vmem>>, vector<16xi32>,
    %get3A_597 = vector.shape_cast %get3A_596 : vector<16xi32> to vector<16xi32>
    %broadcast_in_dim3A_598 = arith.constant 0 : i32
    %broadcast_in_dim3A_599 = vector.broadcast %broadcast_in_dim3A_598 : i32 to vector<16xi32>
    %sub3A_600 = arith.constant 0 : i32
    %sub3A_601 = vector.broadcast %sub3A_600 : i32 to vector<16xi32>
    %sub3A_602 = arith.subi %get3A_597, %sub3A_601 : vector<16xi32>
    %jit3A_603 = arith.constant 0 : i32
    %jit3A_604 = arith.constant 15 : i32
    %max3A_605 = vector.broadcast %jit3A_603 : i32 to vector<16xi32>
    %max3A_606 = arith.maxsi %max3A_605, %sub3A_602 : vector<16xi32>
    %min3A_607 = vector.broadcast %jit3A_604 : i32 to vector<16xi32>
    %min3A_608 = arith.minsi %min3A_607, %max3A_606 : vector<16xi32>
    %lt3A_609 = arith.constant 0 : i32
    %lt3A_610 = vector.broadcast %lt3A_609 : i32 to vector<16xi32>
    %lt3A_611 = arith.cmpi slt, %min3A_608, %lt3A_610 : vector<16xi32>
    %add3A_612 = arith.constant 16 : i32
    %add3A_613 = vector.broadcast %add3A_612 : i32 to vector<16xi32>
    %add3A_614 = arith.addi %min3A_608, %add3A_613 : vector<16xi32>
    %select_n3A_615 = arith.select %lt3A_611, %add3A_614, %min3A_608 : vector<16xi1>, vector<16xi32>
    %broadcast_in_dim3A_616 = vector.shape_cast %select_n3A_615 : vector<16xi32> to vector<16x1xi32>
    %gather3A_617 = vector.shape_cast %broadcast_in_dim3A_616 : vector<16x1xi32> to vector<16xi32>
    %gather3A_618 = tpu.dynamic_gather %add3A_130[%gather3A_617] in [0] : vector<16xi32>, vector<16xi32> -> vector<16xi32>
    %ge3A_619 = arith.constant 0 : i32
    %ge3A_620 = vector.broadcast %ge3A_619 : i32 to vector<16xi32>
    %ge3A_621 = arith.cmpi sge, %get3A_597, %ge3A_620 : vector<16xi32>
    %lt3A_622 = arith.constant 16 : i32
    %lt3A_623 = vector.broadcast %lt3A_622 : i32 to vector<16xi32>
    %lt3A_624 = arith.cmpi slt, %get3A_597, %lt3A_623 : vector<16xi32>
    %and3A_625 = arith.andi %ge3A_621, %lt3A_624 : vector<16xi1>
    %select_n3A_626 = arith.select %and3A_625, %gather3A_618, %broadcast_in_dim3A_599 : vector<16xi1>, vector<16xi32>
    %sub3A_627 = arith.constant 16 : i32
    %sub3A_628 = vector.broadcast %sub3A_627 : i32 to vector<16xi32>
    %sub3A_629 = arith.subi %get3A_597, %sub3A_628 : vector<16xi32>
    %jit3A_630 = arith.constant 0 : i32
    %jit3A_631 = arith.constant 15 : i32
    %max3A_632 = vector.broadcast %jit3A_630 : i32 to vector<16xi32>
    %max3A_633 = arith.maxsi %max3A_632, %sub3A_629 : vector<16xi32>
    %min3A_634 = vector.broadcast %jit3A_631 : i32 to vector<16xi32>
    %min3A_635 = arith.minsi %min3A_634, %max3A_633 : vector<16xi32>
    %lt3A_636 = arith.constant 0 : i32
    %lt3A_637 = vector.broadcast %lt3A_636 : i32 to vector<16xi32>
    %lt3A_638 = arith.cmpi slt, %min3A_635, %lt3A_637 : vector<16xi32>
    %add3A_639 = arith.constant 16 : i32
    %add3A_640 = vector.broadcast %add3A_639 : i32 to vector<16xi32>
    %add3A_641 = arith.addi %min3A_635, %add3A_640 : vector<16xi32>
    %select_n3A_642 = arith.select %lt3A_638, %add3A_641, %min3A_635 : vector<16xi1>, vector<16xi32>
    %broadcast_in_dim3A_643 = vector.shape_cast %select_n3A_642 : vector<16xi32> to vector<16x1xi32>
    %gather3A_644 = vector.shape_cast %broadcast_in_dim3A_643 : vector<16x1xi32> to vector<16xi32>
    %gather3A_645 = tpu.dynamic_gather %add3A_246[%gather3A_644] in [0] : vector<16xi32>, vector<16xi32> -> vector<16xi32>
    %ge3A_646 = arith.constant 16 : i32
    %ge3A_647 = vector.broadcast %ge3A_646 : i32 to vector<16xi32>
    %ge3A_648 = arith.cmpi sge, %get3A_597, %ge3A_647 : vector<16xi32>
    %lt3A_649 = arith.constant 32 : i32
    %lt3A_650 = vector.broadcast %lt3A_649 : i32 to vector<16xi32>
    %lt3A_651 = arith.cmpi slt, %get3A_597, %lt3A_650 : vector<16xi32>
    %and3A_652 = arith.andi %ge3A_648, %lt3A_651 : vector<16xi1>
    %select_n3A_653 = arith.select %and3A_652, %gather3A_645, %select_n3A_626 : vector<16xi1>, vector<16xi32>
    %sub3A_654 = arith.constant 32 : i32
    %sub3A_655 = vector.broadcast %sub3A_654 : i32 to vector<16xi32>
    %sub3A_656 = arith.subi %get3A_597, %sub3A_655 : vector<16xi32>
    %jit3A_657 = arith.constant 0 : i32
    %jit3A_658 = arith.constant 15 : i32
    %max3A_659 = vector.broadcast %jit3A_657 : i32 to vector<16xi32>
    %max3A_660 = arith.maxsi %max3A_659, %sub3A_656 : vector<16xi32>
    %min3A_661 = vector.broadcast %jit3A_658 : i32 to vector<16xi32>
    %min3A_662 = arith.minsi %min3A_661, %max3A_660 : vector<16xi32>
    %lt3A_663 = arith.constant 0 : i32
    %lt3A_664 = vector.broadcast %lt3A_663 : i32 to vector<16xi32>
    %lt3A_665 = arith.cmpi slt, %min3A_662, %lt3A_664 : vector<16xi32>
    %add3A_666 = arith.constant 16 : i32
    %add3A_667 = vector.broadcast %add3A_666 : i32 to vector<16xi32>
    %add3A_668 = arith.addi %min3A_662, %add3A_667 : vector<16xi32>
    %select_n3A_669 = arith.select %lt3A_665, %add3A_668, %min3A_662 : vector<16xi1>, vector<16xi32>
    %broadcast_in_dim3A_670 = vector.shape_cast %select_n3A_669 : vector<16xi32> to vector<16x1xi32>
    %gather3A_671 = vector.shape_cast %broadcast_in_dim3A_670 : vector<16x1xi32> to vector<16xi32>
    %gather3A_672 = tpu.dynamic_gather %add3A_362[%gather3A_671] in [0] : vector<16xi32>, vector<16xi32> -> vector<16xi32>
    %ge3A_673 = arith.constant 32 : i32
    %ge3A_674 = vector.broadcast %ge3A_673 : i32 to vector<16xi32>
    %ge3A_675 = arith.cmpi sge, %get3A_597, %ge3A_674 : vector<16xi32>
    %lt3A_676 = arith.constant 48 : i32
    %lt3A_677 = vector.broadcast %lt3A_676 : i32 to vector<16xi32>
    %lt3A_678 = arith.cmpi slt, %get3A_597, %lt3A_677 : vector<16xi32>
    %and3A_679 = arith.andi %ge3A_675, %lt3A_678 : vector<16xi1>
    %select_n3A_680 = arith.select %and3A_679, %gather3A_672, %select_n3A_653 : vector<16xi1>, vector<16xi32>
    %sub3A_681 = arith.constant 48 : i32
    %sub3A_682 = vector.broadcast %sub3A_681 : i32 to vector<16xi32>
    %sub3A_683 = arith.subi %get3A_597, %sub3A_682 : vector<16xi32>
    %jit3A_684 = arith.constant 0 : i32
    %jit3A_685 = arith.constant 15 : i32
    %max3A_686 = vector.broadcast %jit3A_684 : i32 to vector<16xi32>
    %max3A_687 = arith.maxsi %max3A_686, %sub3A_683 : vector<16xi32>
    %min3A_688 = vector.broadcast %jit3A_685 : i32 to vector<16xi32>
    %min3A_689 = arith.minsi %min3A_688, %max3A_687 : vector<16xi32>
    %lt3A_690 = arith.constant 0 : i32
    %lt3A_691 = vector.broadcast %lt3A_690 : i32 to vector<16xi32>
    %lt3A_692 = arith.cmpi slt, %min3A_689, %lt3A_691 : vector<16xi32>
    %add3A_693 = arith.constant 16 : i32
    %add3A_694 = vector.broadcast %add3A_693 : i32 to vector<16xi32>
    %add3A_695 = arith.addi %min3A_689, %add3A_694 : vector<16xi32>
    %select_n3A_696 = arith.select %lt3A_692, %add3A_695, %min3A_689 : vector<16xi1>, vector<16xi32>
    %broadcast_in_dim3A_697 = vector.shape_cast %select_n3A_696 : vector<16xi32> to vector<16x1xi32>
    %gather3A_698 = vector.shape_cast %broadcast_in_dim3A_697 : vector<16x1xi32> to vector<16xi32>
    %gather3A_699 = tpu.dynamic_gather %add3A_478[%gather3A_698] in [0] : vector<16xi32>, vector<16xi32> -> vector<16xi32>
    %ge3A_700 = arith.constant 48 : i32
    %ge3A_701 = vector.broadcast %ge3A_700 : i32 to vector<16xi32>
    %ge3A_702 = arith.cmpi sge, %get3A_597, %ge3A_701 : vector<16xi32>
    %lt3A_703 = arith.constant 64 : i32
    %lt3A_704 = vector.broadcast %lt3A_703 : i32 to vector<16xi32>
    %lt3A_705 = arith.cmpi slt, %get3A_597, %lt3A_704 : vector<16xi32>
    %and3A_706 = arith.andi %ge3A_702, %lt3A_705 : vector<16xi1>
    %select_n3A_707 = arith.select %and3A_706, %gather3A_699, %select_n3A_680 : vector<16xi1>, vector<16xi32>
    %get3A_708 = arith.constant 16 : index
    %get3A_709 = tpu.vector_load %arg8[%get3A_708] {strides = array<i32>} : memref<128xi32, #tpu.memory_space<vmem>>, vector<16xi32>,
    %get3A_710 = vector.shape_cast %get3A_709 : vector<16xi32> to vector<16xi32>
    %add3A_711 = arith.addi %get3A_710, %select_n3A_707 : vector<16xi32>
    %swap3A_712 = arith.constant 16 : index
    %swap3A_713 = tpu.vector_load %arg9[%swap3A_712] {strides = array<i32>} : memref<128xi32, #tpu.memory_space<vmem>>, vector<16xi32>,
    %swap3A_714 = vector.shape_cast %swap3A_713 : vector<16xi32> to vector<16xi32>
    %swap3A_715 = vector.shape_cast %add3A_711 : vector<16xi32> to vector<16xi32>
    tpu.vector_store %arg9[%swap3A_712], %swap3A_715 {strides = array<i32>} : memref<128xi32, #tpu.memory_space<vmem>>, vector<16xi32>,
    %get3A_716 = arith.constant 32 : index
    %get3A_717 = tpu.vector_load %arg7[%get3A_716] {strides = array<i32>} : memref<128xi32, #tpu.memory_space<vmem>>, vector<16xi32>,
    %get3A_718 = vector.shape_cast %get3A_717 : vector<16xi32> to vector<16xi32>
    %broadcast_in_dim3A_719 = arith.constant 0 : i32
    %broadcast_in_dim3A_720 = vector.broadcast %broadcast_in_dim3A_719 : i32 to vector<16xi32>
    %sub3A_721 = arith.constant 0 : i32
    %sub3A_722 = vector.broadcast %sub3A_721 : i32 to vector<16xi32>
    %sub3A_723 = arith.subi %get3A_718, %sub3A_722 : vector<16xi32>
    %jit3A_724 = arith.constant 0 : i32
    %jit3A_725 = arith.constant 15 : i32
    %max3A_726 = vector.broadcast %jit3A_724 : i32 to vector<16xi32>
    %max3A_727 = arith.maxsi %max3A_726, %sub3A_723 : vector<16xi32>
    %min3A_728 = vector.broadcast %jit3A_725 : i32 to vector<16xi32>
    %min3A_729 = arith.minsi %min3A_728, %max3A_727 : vector<16xi32>
    %lt3A_730 = arith.constant 0 : i32
    %lt3A_731 = vector.broadcast %lt3A_730 : i32 to vector<16xi32>
    %lt3A_732 = arith.cmpi slt, %min3A_729, %lt3A_731 : vector<16xi32>
    %add3A_733 = arith.constant 16 : i32
    %add3A_734 = vector.broadcast %add3A_733 : i32 to vector<16xi32>
    %add3A_735 = arith.addi %min3A_729, %add3A_734 : vector<16xi32>
    %select_n3A_736 = arith.select %lt3A_732, %add3A_735, %min3A_729 : vector<16xi1>, vector<16xi32>
    %broadcast_in_dim3A_737 = vector.shape_cast %select_n3A_736 : vector<16xi32> to vector<16x1xi32>
    %gather3A_738 = vector.shape_cast %broadcast_in_dim3A_737 : vector<16x1xi32> to vector<16xi32>
    %gather3A_739 = tpu.dynamic_gather %add3A_130[%gather3A_738] in [0] : vector<16xi32>, vector<16xi32> -> vector<16xi32>
    %ge3A_740 = arith.constant 0 : i32
    %ge3A_741 = vector.broadcast %ge3A_740 : i32 to vector<16xi32>
    %ge3A_742 = arith.cmpi sge, %get3A_718, %ge3A_741 : vector<16xi32>
    %lt3A_743 = arith.constant 16 : i32
    %lt3A_744 = vector.broadcast %lt3A_743 : i32 to vector<16xi32>
    %lt3A_745 = arith.cmpi slt, %get3A_718, %lt3A_744 : vector<16xi32>
    %and3A_746 = arith.andi %ge3A_742, %lt3A_745 : vector<16xi1>
    %select_n3A_747 = arith.select %and3A_746, %gather3A_739, %broadcast_in_dim3A_720 : vector<16xi1>, vector<16xi32>
    %sub3A_748 = arith.constant 16 : i32
    %sub3A_749 = vector.broadcast %sub3A_748 : i32 to vector<16xi32>
    %sub3A_750 = arith.subi %get3A_718, %sub3A_749 : vector<16xi32>
    %jit3A_751 = arith.constant 0 : i32
    %jit3A_752 = arith.constant 15 : i32
    %max3A_753 = vector.broadcast %jit3A_751 : i32 to vector<16xi32>
    %max3A_754 = arith.maxsi %max3A_753, %sub3A_750 : vector<16xi32>
    %min3A_755 = vector.broadcast %jit3A_752 : i32 to vector<16xi32>
    %min3A_756 = arith.minsi %min3A_755, %max3A_754 : vector<16xi32>
    %lt3A_757 = arith.constant 0 : i32
    %lt3A_758 = vector.broadcast %lt3A_757 : i32 to vector<16xi32>
    %lt3A_759 = arith.cmpi slt, %min3A_756, %lt3A_758 : vector<16xi32>
    %add3A_760 = arith.constant 16 : i32
    %add3A_761 = vector.broadcast %add3A_760 : i32 to vector<16xi32>
    %add3A_762 = arith.addi %min3A_756, %add3A_761 : vector<16xi32>
    %select_n3A_763 = arith.select %lt3A_759, %add3A_762, %min3A_756 : vector<16xi1>, vector<16xi32>
    %broadcast_in_dim3A_764 = vector.shape_cast %select_n3A_763 : vector<16xi32> to vector<16x1xi32>
    %gather3A_765 = vector.shape_cast %broadcast_in_dim3A_764 : vector<16x1xi32> to vector<16xi32>
    %gather3A_766 = tpu.dynamic_gather %add3A_246[%gather3A_765] in [0] : vector<16xi32>, vector<16xi32> -> vector<16xi32>
    %ge3A_767 = arith.constant 16 : i32
    %ge3A_768 = vector.broadcast %ge3A_767 : i32 to vector<16xi32>
    %ge3A_769 = arith.cmpi sge, %get3A_718, %ge3A_768 : vector<16xi32>
    %lt3A_770 = arith.constant 32 : i32
    %lt3A_771 = vector.broadcast %lt3A_770 : i32 to vector<16xi32>
    %lt3A_772 = arith.cmpi slt, %get3A_718, %lt3A_771 : vector<16xi32>
    %and3A_773 = arith.andi %ge3A_769, %lt3A_772 : vector<16xi1>
    %select_n3A_774 = arith.select %and3A_773, %gather3A_766, %select_n3A_747 : vector<16xi1>, vector<16xi32>
    %sub3A_775 = arith.constant 32 : i32
    %sub3A_776 = vector.broadcast %sub3A_775 : i32 to vector<16xi32>
    %sub3A_777 = arith.subi %get3A_718, %sub3A_776 : vector<16xi32>
    %jit3A_778 = arith.constant 0 : i32
    %jit3A_779 = arith.constant 15 : i32
    %max3A_780 = vector.broadcast %jit3A_778 : i32 to vector<16xi32>
    %max3A_781 = arith.maxsi %max3A_780, %sub3A_777 : vector<16xi32>
    %min3A_782 = vector.broadcast %jit3A_779 : i32 to vector<16xi32>
    %min3A_783 = arith.minsi %min3A_782, %max3A_781 : vector<16xi32>
    %lt3A_784 = arith.constant 0 : i32
    %lt3A_785 = vector.broadcast %lt3A_784 : i32 to vector<16xi32>
    %lt3A_786 = arith.cmpi slt, %min3A_783, %lt3A_785 : vector<16xi32>
    %add3A_787 = arith.constant 16 : i32
    %add3A_788 = vector.broadcast %add3A_787 : i32 to vector<16xi32>
    %add3A_789 = arith.addi %min3A_783, %add3A_788 : vector<16xi32>
    %select_n3A_790 = arith.select %lt3A_786, %add3A_789, %min3A_783 : vector<16xi1>, vector<16xi32>
    %broadcast_in_dim3A_791 = vector.shape_cast %select_n3A_790 : vector<16xi32> to vector<16x1xi32>
    %gather3A_792 = vector.shape_cast %broadcast_in_dim3A_791 : vector<16x1xi32> to vector<16xi32>
    %gather3A_793 = tpu.dynamic_gather %add3A_362[%gather3A_792] in [0] : vector<16xi32>, vector<16xi32> -> vector<16xi32>
    %ge3A_794 = arith.constant 32 : i32
    %ge3A_795 = vector.broadcast %ge3A_794 : i32 to vector<16xi32>
    %ge3A_796 = arith.cmpi sge, %get3A_718, %ge3A_795 : vector<16xi32>
    %lt3A_797 = arith.constant 48 : i32
    %lt3A_798 = vector.broadcast %lt3A_797 : i32 to vector<16xi32>
    %lt3A_799 = arith.cmpi slt, %get3A_718, %lt3A_798 : vector<16xi32>
    %and3A_800 = arith.andi %ge3A_796, %lt3A_799 : vector<16xi1>
    %select_n3A_801 = arith.select %and3A_800, %gather3A_793, %select_n3A_774 : vector<16xi1>, vector<16xi32>
    %sub3A_802 = arith.constant 48 : i32
    %sub3A_803 = vector.broadcast %sub3A_802 : i32 to vector<16xi32>
    %sub3A_804 = arith.subi %get3A_718, %sub3A_803 : vector<16xi32>
    %jit3A_805 = arith.constant 0 : i32
    %jit3A_806 = arith.constant 15 : i32
    %max3A_807 = vector.broadcast %jit3A_805 : i32 to vector<16xi32>
    %max3A_808 = arith.maxsi %max3A_807, %sub3A_804 : vector<16xi32>
    %min3A_809 = vector.broadcast %jit3A_806 : i32 to vector<16xi32>
    %min3A_810 = arith.minsi %min3A_809, %max3A_808 : vector<16xi32>
    %lt3A_811 = arith.constant 0 : i32
    %lt3A_812 = vector.broadcast %lt3A_811 : i32 to vector<16xi32>
    %lt3A_813 = arith.cmpi slt, %min3A_810, %lt3A_812 : vector<16xi32>
    %add3A_814 = arith.constant 16 : i32
    %add3A_815 = vector.broadcast %add3A_814 : i32 to vector<16xi32>
    %add3A_816 = arith.addi %min3A_810, %add3A_815 : vector<16xi32>
    %select_n3A_817 = arith.select %lt3A_813, %add3A_816, %min3A_810 : vector<16xi1>, vector<16xi32>
    %broadcast_in_dim3A_818 = vector.shape_cast %select_n3A_817 : vector<16xi32> to vector<16x1xi32>
    %gather3A_819 = vector.shape_cast %broadcast_in_dim3A_818 : vector<16x1xi32> to vector<16xi32>
    %gather3A_820 = tpu.dynamic_gather %add3A_478[%gather3A_819] in [0] : vector<16xi32>, vector<16xi32> -> vector<16xi32>
    %ge3A_821 = arith.constant 48 : i32
    %ge3A_822 = vector.broadcast %ge3A_821 : i32 to vector<16xi32>
    %ge3A_823 = arith.cmpi sge, %get3A_718, %ge3A_822 : vector<16xi32>
    %lt3A_824 = arith.constant 64 : i32
    %lt3A_825 = vector.broadcast %lt3A_824 : i32 to vector<16xi32>
    %lt3A_826 = arith.cmpi slt, %get3A_718, %lt3A_825 : vector<16xi32>
    %and3A_827 = arith.andi %ge3A_823, %lt3A_826 : vector<16xi1>
    %select_n3A_828 = arith.select %and3A_827, %gather3A_820, %select_n3A_801 : vector<16xi1>, vector<16xi32>
    %get3A_829 = arith.constant 32 : index
    %get3A_830 = tpu.vector_load %arg8[%get3A_829] {strides = array<i32>} : memref<128xi32, #tpu.memory_space<vmem>>, vector<16xi32>,
    %get3A_831 = vector.shape_cast %get3A_830 : vector<16xi32> to vector<16xi32>
    %add3A_832 = arith.addi %get3A_831, %select_n3A_828 : vector<16xi32>
    %swap3A_833 = arith.constant 32 : index
    %swap3A_834 = tpu.vector_load %arg9[%swap3A_833] {strides = array<i32>} : memref<128xi32, #tpu.memory_space<vmem>>, vector<16xi32>,
    %swap3A_835 = vector.shape_cast %swap3A_834 : vector<16xi32> to vector<16xi32>
    %swap3A_836 = vector.shape_cast %add3A_832 : vector<16xi32> to vector<16xi32>
    tpu.vector_store %arg9[%swap3A_833], %swap3A_836 {strides = array<i32>} : memref<128xi32, #tpu.memory_space<vmem>>, vector<16xi32>,
    %get3A_837 = arith.constant 48 : index
    %get3A_838 = tpu.vector_load %arg7[%get3A_837] {strides = array<i32>} : memref<128xi32, #tpu.memory_space<vmem>>, vector<16xi32>,
    %get3A_839 = vector.shape_cast %get3A_838 : vector<16xi32> to vector<16xi32>
    %broadcast_in_dim3A_840 = arith.constant 0 : i32
    %broadcast_in_dim3A_841 = vector.broadcast %broadcast_in_dim3A_840 : i32 to vector<16xi32>
    %sub3A_842 = arith.constant 0 : i32
    %sub3A_843 = vector.broadcast %sub3A_842 : i32 to vector<16xi32>
    %sub3A_844 = arith.subi %get3A_839, %sub3A_843 : vector<16xi32>
    %jit3A_845 = arith.constant 0 : i32
    %jit3A_846 = arith.constant 15 : i32
    %max3A_847 = vector.broadcast %jit3A_845 : i32 to vector<16xi32>
    %max3A_848 = arith.maxsi %max3A_847, %sub3A_844 : vector<16xi32>
    %min3A_849 = vector.broadcast %jit3A_846 : i32 to vector<16xi32>
    %min3A_850 = arith.minsi %min3A_849, %max3A_848 : vector<16xi32>
    %lt3A_851 = arith.constant 0 : i32
    %lt3A_852 = vector.broadcast %lt3A_851 : i32 to vector<16xi32>
    %lt3A_853 = arith.cmpi slt, %min3A_850, %lt3A_852 : vector<16xi32>
    %add3A_854 = arith.constant 16 : i32
    %add3A_855 = vector.broadcast %add3A_854 : i32 to vector<16xi32>
    %add3A_856 = arith.addi %min3A_850, %add3A_855 : vector<16xi32>
    %select_n3A_857 = arith.select %lt3A_853, %add3A_856, %min3A_850 : vector<16xi1>, vector<16xi32>
    %broadcast_in_dim3A_858 = vector.shape_cast %select_n3A_857 : vector<16xi32> to vector<16x1xi32>
    %gather3A_859 = vector.shape_cast %broadcast_in_dim3A_858 : vector<16x1xi32> to vector<16xi32>
    %gather3A_860 = tpu.dynamic_gather %add3A_130[%gather3A_859] in [0] : vector<16xi32>, vector<16xi32> -> vector<16xi32>
    %ge3A_861 = arith.constant 0 : i32
    %ge3A_862 = vector.broadcast %ge3A_861 : i32 to vector<16xi32>
    %ge3A_863 = arith.cmpi sge, %get3A_839, %ge3A_862 : vector<16xi32>
    %lt3A_864 = arith.constant 16 : i32
    %lt3A_865 = vector.broadcast %lt3A_864 : i32 to vector<16xi32>
    %lt3A_866 = arith.cmpi slt, %get3A_839, %lt3A_865 : vector<16xi32>
    %and3A_867 = arith.andi %ge3A_863, %lt3A_866 : vector<16xi1>
    %select_n3A_868 = arith.select %and3A_867, %gather3A_860, %broadcast_in_dim3A_841 : vector<16xi1>, vector<16xi32>
    %sub3A_869 = arith.constant 16 : i32
    %sub3A_870 = vector.broadcast %sub3A_869 : i32 to vector<16xi32>
    %sub3A_871 = arith.subi %get3A_839, %sub3A_870 : vector<16xi32>
    %jit3A_872 = arith.constant 0 : i32
    %jit3A_873 = arith.constant 15 : i32
    %max3A_874 = vector.broadcast %jit3A_872 : i32 to vector<16xi32>
    %max3A_875 = arith.maxsi %max3A_874, %sub3A_871 : vector<16xi32>
    %min3A_876 = vector.broadcast %jit3A_873 : i32 to vector<16xi32>
    %min3A_877 = arith.minsi %min3A_876, %max3A_875 : vector<16xi32>
    %lt3A_878 = arith.constant 0 : i32
    %lt3A_879 = vector.broadcast %lt3A_878 : i32 to vector<16xi32>
    %lt3A_880 = arith.cmpi slt, %min3A_877, %lt3A_879 : vector<16xi32>
    %add3A_881 = arith.constant 16 : i32
    %add3A_882 = vector.broadcast %add3A_881 : i32 to vector<16xi32>
    %add3A_883 = arith.addi %min3A_877, %add3A_882 : vector<16xi32>
    %select_n3A_884 = arith.select %lt3A_880, %add3A_883, %min3A_877 : vector<16xi1>, vector<16xi32>
    %broadcast_in_dim3A_885 = vector.shape_cast %select_n3A_884 : vector<16xi32> to vector<16x1xi32>
    %gather3A_886 = vector.shape_cast %broadcast_in_dim3A_885 : vector<16x1xi32> to vector<16xi32>
    %gather3A_887 = tpu.dynamic_gather %add3A_246[%gather3A_886] in [0] : vector<16xi32>, vector<16xi32> -> vector<16xi32>
    %ge3A_888 = arith.constant 16 : i32
    %ge3A_889 = vector.broadcast %ge3A_888 : i32 to vector<16xi32>
    %ge3A_890 = arith.cmpi sge, %get3A_839, %ge3A_889 : vector<16xi32>
    %lt3A_891 = arith.constant 32 : i32
    %lt3A_892 = vector.broadcast %lt3A_891 : i32 to vector<16xi32>
    %lt3A_893 = arith.cmpi slt, %get3A_839, %lt3A_892 : vector<16xi32>
    %and3A_894 = arith.andi %ge3A_890, %lt3A_893 : vector<16xi1>
    %select_n3A_895 = arith.select %and3A_894, %gather3A_887, %select_n3A_868 : vector<16xi1>, vector<16xi32>
    %sub3A_896 = arith.constant 32 : i32
    %sub3A_897 = vector.broadcast %sub3A_896 : i32 to vector<16xi32>
    %sub3A_898 = arith.subi %get3A_839, %sub3A_897 : vector<16xi32>
    %jit3A_899 = arith.constant 0 : i32
    %jit3A_900 = arith.constant 15 : i32
    %max3A_901 = vector.broadcast %jit3A_899 : i32 to vector<16xi32>
    %max3A_902 = arith.maxsi %max3A_901, %sub3A_898 : vector<16xi32>
    %min3A_903 = vector.broadcast %jit3A_900 : i32 to vector<16xi32>
    %min3A_904 = arith.minsi %min3A_903, %max3A_902 : vector<16xi32>
    %lt3A_905 = arith.constant 0 : i32
    %lt3A_906 = vector.broadcast %lt3A_905 : i32 to vector<16xi32>
    %lt3A_907 = arith.cmpi slt, %min3A_904, %lt3A_906 : vector<16xi32>
    %add3A_908 = arith.constant 16 : i32
    %add3A_909 = vector.broadcast %add3A_908 : i32 to vector<16xi32>
    %add3A_910 = arith.addi %min3A_904, %add3A_909 : vector<16xi32>
    %select_n3A_911 = arith.select %lt3A_907, %add3A_910, %min3A_904 : vector<16xi1>, vector<16xi32>
    %broadcast_in_dim3A_912 = vector.shape_cast %select_n3A_911 : vector<16xi32> to vector<16x1xi32>
    %gather3A_913 = vector.shape_cast %broadcast_in_dim3A_912 : vector<16x1xi32> to vector<16xi32>
    %gather3A_914 = tpu.dynamic_gather %add3A_362[%gather3A_913] in [0] : vector<16xi32>, vector<16xi32> -> vector<16xi32>
    %ge3A_915 = arith.constant 32 : i32
    %ge3A_916 = vector.broadcast %ge3A_915 : i32 to vector<16xi32>
    %ge3A_917 = arith.cmpi sge, %get3A_839, %ge3A_916 : vector<16xi32>
    %lt3A_918 = arith.constant 48 : i32
    %lt3A_919 = vector.broadcast %lt3A_918 : i32 to vector<16xi32>
    %lt3A_920 = arith.cmpi slt, %get3A_839, %lt3A_919 : vector<16xi32>
    %and3A_921 = arith.andi %ge3A_917, %lt3A_920 : vector<16xi1>
    %select_n3A_922 = arith.select %and3A_921, %gather3A_914, %select_n3A_895 : vector<16xi1>, vector<16xi32>
    %sub3A_923 = arith.constant 48 : i32
    %sub3A_924 = vector.broadcast %sub3A_923 : i32 to vector<16xi32>
    %sub3A_925 = arith.subi %get3A_839, %sub3A_924 : vector<16xi32>
    %jit3A_926 = arith.constant 0 : i32
    %jit3A_927 = arith.constant 15 : i32
    %max3A_928 = vector.broadcast %jit3A_926 : i32 to vector<16xi32>
    %max3A_929 = arith.maxsi %max3A_928, %sub3A_925 : vector<16xi32>
    %min3A_930 = vector.broadcast %jit3A_927 : i32 to vector<16xi32>
    %min3A_931 = arith.minsi %min3A_930, %max3A_929 : vector<16xi32>
    %lt3A_932 = arith.constant 0 : i32
    %lt3A_933 = vector.broadcast %lt3A_932 : i32 to vector<16xi32>
    %lt3A_934 = arith.cmpi slt, %min3A_931, %lt3A_933 : vector<16xi32>
    %add3A_935 = arith.constant 16 : i32
    %add3A_936 = vector.broadcast %add3A_935 : i32 to vector<16xi32>
    %add3A_937 = arith.addi %min3A_931, %add3A_936 : vector<16xi32>
    %select_n3A_938 = arith.select %lt3A_934, %add3A_937, %min3A_931 : vector<16xi1>, vector<16xi32>
    %broadcast_in_dim3A_939 = vector.shape_cast %select_n3A_938 : vector<16xi32> to vector<16x1xi32>
    %gather3A_940 = vector.shape_cast %broadcast_in_dim3A_939 : vector<16x1xi32> to vector<16xi32>
    %gather3A_941 = tpu.dynamic_gather %add3A_478[%gather3A_940] in [0] : vector<16xi32>, vector<16xi32> -> vector<16xi32>
    %ge3A_942 = arith.constant 48 : i32
    %ge3A_943 = vector.broadcast %ge3A_942 : i32 to vector<16xi32>
    %ge3A_944 = arith.cmpi sge, %get3A_839, %ge3A_943 : vector<16xi32>
    %lt3A_945 = arith.constant 64 : i32
    %lt3A_946 = vector.broadcast %lt3A_945 : i32 to vector<16xi32>
    %lt3A_947 = arith.cmpi slt, %get3A_839, %lt3A_946 : vector<16xi32>
    %and3A_948 = arith.andi %ge3A_944, %lt3A_947 : vector<16xi1>
    %select_n3A_949 = arith.select %and3A_948, %gather3A_941, %select_n3A_922 : vector<16xi1>, vector<16xi32>
    %get3A_950 = arith.constant 48 : index
    %get3A_951 = tpu.vector_load %arg8[%get3A_950] {strides = array<i32>} : memref<128xi32, #tpu.memory_space<vmem>>, vector<16xi32>,
    %get3A_952 = vector.shape_cast %get3A_951 : vector<16xi32> to vector<16xi32>
    %add3A_953 = arith.addi %get3A_952, %select_n3A_949 : vector<16xi32>
    %swap3A_954 = arith.constant 48 : index
    %swap3A_955 = tpu.vector_load %arg9[%swap3A_954] {strides = array<i32>} : memref<128xi32, #tpu.memory_space<vmem>>, vector<16xi32>,
    %swap3A_956 = vector.shape_cast %swap3A_955 : vector<16xi32> to vector<16xi32>
    %swap3A_957 = vector.shape_cast %add3A_953 : vector<16xi32> to vector<16xi32>
    tpu.vector_store %arg9[%swap3A_954], %swap3A_957 {strides = array<i32>} : memref<128xi32, #tpu.memory_space<vmem>>, vector<16xi32>,
    %get3A_958 = arith.constant 64 : index
    %get3A_959 = tpu.vector_load %arg7[%get3A_958] {strides = array<i32>} : memref<128xi32, #tpu.memory_space<vmem>>, vector<16xi32>,
    %get3A_960 = vector.shape_cast %get3A_959 : vector<16xi32> to vector<16xi32>
    %broadcast_in_dim3A_961 = arith.constant 0 : i32
    %broadcast_in_dim3A_962 = vector.broadcast %broadcast_in_dim3A_961 : i32 to vector<16xi32>
    %sub3A_963 = arith.constant 0 : i32
    %sub3A_964 = vector.broadcast %sub3A_963 : i32 to vector<16xi32>
    %sub3A_965 = arith.subi %get3A_960, %sub3A_964 : vector<16xi32>
    %jit3A_966 = arith.constant 0 : i32
    %jit3A_967 = arith.constant 15 : i32
    %max3A_968 = vector.broadcast %jit3A_966 : i32 to vector<16xi32>
    %max3A_969 = arith.maxsi %max3A_968, %sub3A_965 : vector<16xi32>
    %min3A_970 = vector.broadcast %jit3A_967 : i32 to vector<16xi32>
    %min3A_971 = arith.minsi %min3A_970, %max3A_969 : vector<16xi32>
    %lt3A_972 = arith.constant 0 : i32
    %lt3A_973 = vector.broadcast %lt3A_972 : i32 to vector<16xi32>
    %lt3A_974 = arith.cmpi slt, %min3A_971, %lt3A_973 : vector<16xi32>
    %add3A_975 = arith.constant 16 : i32
    %add3A_976 = vector.broadcast %add3A_975 : i32 to vector<16xi32>
    %add3A_977 = arith.addi %min3A_971, %add3A_976 : vector<16xi32>
    %select_n3A_978 = arith.select %lt3A_974, %add3A_977, %min3A_971 : vector<16xi1>, vector<16xi32>
    %broadcast_in_dim3A_979 = vector.shape_cast %select_n3A_978 : vector<16xi32> to vector<16x1xi32>
    %gather3A_980 = vector.shape_cast %broadcast_in_dim3A_979 : vector<16x1xi32> to vector<16xi32>
    %gather3A_981 = tpu.dynamic_gather %add3A_130[%gather3A_980] in [0] : vector<16xi32>, vector<16xi32> -> vector<16xi32>
    %ge3A_982 = arith.constant 0 : i32
    %ge3A_983 = vector.broadcast %ge3A_982 : i32 to vector<16xi32>
    %ge3A_984 = arith.cmpi sge, %get3A_960, %ge3A_983 : vector<16xi32>
    %lt3A_985 = arith.constant 16 : i32
    %lt3A_986 = vector.broadcast %lt3A_985 : i32 to vector<16xi32>
    %lt3A_987 = arith.cmpi slt, %get3A_960, %lt3A_986 : vector<16xi32>
    %and3A_988 = arith.andi %ge3A_984, %lt3A_987 : vector<16xi1>
    %select_n3A_989 = arith.select %and3A_988, %gather3A_981, %broadcast_in_dim3A_962 : vector<16xi1>, vector<16xi32>
    %sub3A_990 = arith.constant 16 : i32
    %sub3A_991 = vector.broadcast %sub3A_990 : i32 to vector<16xi32>
    %sub3A_992 = arith.subi %get3A_960, %sub3A_991 : vector<16xi32>
    %jit3A_993 = arith.constant 0 : i32
    %jit3A_994 = arith.constant 15 : i32
    %max3A_995 = vector.broadcast %jit3A_993 : i32 to vector<16xi32>
    %max3A_996 = arith.maxsi %max3A_995, %sub3A_992 : vector<16xi32>
    %min3A_997 = vector.broadcast %jit3A_994 : i32 to vector<16xi32>
    %min3A_998 = arith.minsi %min3A_997, %max3A_996 : vector<16xi32>
    %lt3A_999 = arith.constant 0 : i32
    %lt3A_1000 = vector.broadcast %lt3A_999 : i32 to vector<16xi32>
    %lt3A_1001 = arith.cmpi slt, %min3A_998, %lt3A_1000 : vector<16xi32>
    %add3A_1002 = arith.constant 16 : i32
    %add3A_1003 = vector.broadcast %add3A_1002 : i32 to vector<16xi32>
    %add3A_1004 = arith.addi %min3A_998, %add3A_1003 : vector<16xi32>
    %select_n3A_1005 = arith.select %lt3A_1001, %add3A_1004, %min3A_998 : vector<16xi1>, vector<16xi32>
    %broadcast_in_dim3A_1006 = vector.shape_cast %select_n3A_1005 : vector<16xi32> to vector<16x1xi32>
    %gather3A_1007 = vector.shape_cast %broadcast_in_dim3A_1006 : vector<16x1xi32> to vector<16xi32>
    %gather3A_1008 = tpu.dynamic_gather %add3A_246[%gather3A_1007] in [0] : vector<16xi32>, vector<16xi32> -> vector<16xi32>
    %ge3A_1009 = arith.constant 16 : i32
    %ge3A_1010 = vector.broadcast %ge3A_1009 : i32 to vector<16xi32>
    %ge3A_1011 = arith.cmpi sge, %get3A_960, %ge3A_1010 : vector<16xi32>
    %lt3A_1012 = arith.constant 32 : i32
    %lt3A_1013 = vector.broadcast %lt3A_1012 : i32 to vector<16xi32>
    %lt3A_1014 = arith.cmpi slt, %get3A_960, %lt3A_1013 : vector<16xi32>
    %and3A_1015 = arith.andi %ge3A_1011, %lt3A_1014 : vector<16xi1>
    %select_n3A_1016 = arith.select %and3A_1015, %gather3A_1008, %select_n3A_989 : vector<16xi1>, vector<16xi32>
    %sub3A_1017 = arith.constant 32 : i32
    %sub3A_1018 = vector.broadcast %sub3A_1017 : i32 to vector<16xi32>
    %sub3A_1019 = arith.subi %get3A_960, %sub3A_1018 : vector<16xi32>
    %jit3A_1020 = arith.constant 0 : i32
    %jit3A_1021 = arith.constant 15 : i32
    %max3A_1022 = vector.broadcast %jit3A_1020 : i32 to vector<16xi32>
    %max3A_1023 = arith.maxsi %max3A_1022, %sub3A_1019 : vector<16xi32>
    %min3A_1024 = vector.broadcast %jit3A_1021 : i32 to vector<16xi32>
    %min3A_1025 = arith.minsi %min3A_1024, %max3A_1023 : vector<16xi32>
    %lt3A_1026 = arith.constant 0 : i32
    %lt3A_1027 = vector.broadcast %lt3A_1026 : i32 to vector<16xi32>
    %lt3A_1028 = arith.cmpi slt, %min3A_1025, %lt3A_1027 : vector<16xi32>
    %add3A_1029 = arith.constant 16 : i32
    %add3A_1030 = vector.broadcast %add3A_1029 : i32 to vector<16xi32>
    %add3A_1031 = arith.addi %min3A_1025, %add3A_1030 : vector<16xi32>
    %select_n3A_1032 = arith.select %lt3A_1028, %add3A_1031, %min3A_1025 : vector<16xi1>, vector<16xi32>
    %broadcast_in_dim3A_1033 = vector.shape_cast %select_n3A_1032 : vector<16xi32> to vector<16x1xi32>
    %gather3A_1034 = vector.shape_cast %broadcast_in_dim3A_1033 : vector<16x1xi32> to vector<16xi32>
    %gather3A_1035 = tpu.dynamic_gather %add3A_362[%gather3A_1034] in [0] : vector<16xi32>, vector<16xi32> -> vector<16xi32>
    %ge3A_1036 = arith.constant 32 : i32
    %ge3A_1037 = vector.broadcast %ge3A_1036 : i32 to vector<16xi32>
    %ge3A_1038 = arith.cmpi sge, %get3A_960, %ge3A_1037 : vector<16xi32>
    %lt3A_1039 = arith.constant 48 : i32
    %lt3A_1040 = vector.broadcast %lt3A_1039 : i32 to vector<16xi32>
    %lt3A_1041 = arith.cmpi slt, %get3A_960, %lt3A_1040 : vector<16xi32>
    %and3A_1042 = arith.andi %ge3A_1038, %lt3A_1041 : vector<16xi1>
    %select_n3A_1043 = arith.select %and3A_1042, %gather3A_1035, %select_n3A_1016 : vector<16xi1>, vector<16xi32>
    %sub3A_1044 = arith.constant 48 : i32
    %sub3A_1045 = vector.broadcast %sub3A_1044 : i32 to vector<16xi32>
    %sub3A_1046 = arith.subi %get3A_960, %sub3A_1045 : vector<16xi32>
    %jit3A_1047 = arith.constant 0 : i32
    %jit3A_1048 = arith.constant 15 : i32
    %max3A_1049 = vector.broadcast %jit3A_1047 : i32 to vector<16xi32>
    %max3A_1050 = arith.maxsi %max3A_1049, %sub3A_1046 : vector<16xi32>
    %min3A_1051 = vector.broadcast %jit3A_1048 : i32 to vector<16xi32>
    %min3A_1052 = arith.minsi %min3A_1051, %max3A_1050 : vector<16xi32>
    %lt3A_1053 = arith.constant 0 : i32
    %lt3A_1054 = vector.broadcast %lt3A_1053 : i32 to vector<16xi32>
    %lt3A_1055 = arith.cmpi slt, %min3A_1052, %lt3A_1054 : vector<16xi32>
    %add3A_1056 = arith.constant 16 : i32
    %add3A_1057 = vector.broadcast %add3A_1056 : i32 to vector<16xi32>
    %add3A_1058 = arith.addi %min3A_1052, %add3A_1057 : vector<16xi32>
    %select_n3A_1059 = arith.select %lt3A_1055, %add3A_1058, %min3A_1052 : vector<16xi1>, vector<16xi32>
    %broadcast_in_dim3A_1060 = vector.shape_cast %select_n3A_1059 : vector<16xi32> to vector<16x1xi32>
    %gather3A_1061 = vector.shape_cast %broadcast_in_dim3A_1060 : vector<16x1xi32> to vector<16xi32>
    %gather3A_1062 = tpu.dynamic_gather %add3A_478[%gather3A_1061] in [0] : vector<16xi32>, vector<16xi32> -> vector<16xi32>
    %ge3A_1063 = arith.constant 48 : i32
    %ge3A_1064 = vector.broadcast %ge3A_1063 : i32 to vector<16xi32>
    %ge3A_1065 = arith.cmpi sge, %get3A_960, %ge3A_1064 : vector<16xi32>
    %lt3A_1066 = arith.constant 64 : i32
    %lt3A_1067 = vector.broadcast %lt3A_1066 : i32 to vector<16xi32>
    %lt3A_1068 = arith.cmpi slt, %get3A_960, %lt3A_1067 : vector<16xi32>
    %and3A_1069 = arith.andi %ge3A_1065, %lt3A_1068 : vector<16xi1>
    %select_n3A_1070 = arith.select %and3A_1069, %gather3A_1062, %select_n3A_1043 : vector<16xi1>, vector<16xi32>
    %get3A_1071 = arith.constant 64 : index
    %get3A_1072 = tpu.vector_load %arg8[%get3A_1071] {strides = array<i32>} : memref<128xi32, #tpu.memory_space<vmem>>, vector<16xi32>,
    %get3A_1073 = vector.shape_cast %get3A_1072 : vector<16xi32> to vector<16xi32>
    %add3A_1074 = arith.addi %get3A_1073, %select_n3A_1070 : vector<16xi32>
    %swap3A_1075 = arith.constant 64 : index
    %swap3A_1076 = tpu.vector_load %arg9[%swap3A_1075] {strides = array<i32>} : memref<128xi32, #tpu.memory_space<vmem>>, vector<16xi32>,
    %swap3A_1077 = vector.shape_cast %swap3A_1076 : vector<16xi32> to vector<16xi32>
    %swap3A_1078 = vector.shape_cast %add3A_1074 : vector<16xi32> to vector<16xi32>
    tpu.vector_store %arg9[%swap3A_1075], %swap3A_1078 {strides = array<i32>} : memref<128xi32, #tpu.memory_space<vmem>>, vector<16xi32>,
    %get3A_1079 = arith.constant 80 : index
    %get3A_1080 = tpu.vector_load %arg7[%get3A_1079] {strides = array<i32>} : memref<128xi32, #tpu.memory_space<vmem>>, vector<16xi32>,
    %get3A_1081 = vector.shape_cast %get3A_1080 : vector<16xi32> to vector<16xi32>
    %broadcast_in_dim3A_1082 = arith.constant 0 : i32
    %broadcast_in_dim3A_1083 = vector.broadcast %broadcast_in_dim3A_1082 : i32 to vector<16xi32>
    %sub3A_1084 = arith.constant 0 : i32
    %sub3A_1085 = vector.broadcast %sub3A_1084 : i32 to vector<16xi32>
    %sub3A_1086 = arith.subi %get3A_1081, %sub3A_1085 : vector<16xi32>
    %jit3A_1087 = arith.constant 0 : i32
    %jit3A_1088 = arith.constant 15 : i32
    %max3A_1089 = vector.broadcast %jit3A_1087 : i32 to vector<16xi32>
    %max3A_1090 = arith.maxsi %max3A_1089, %sub3A_1086 : vector<16xi32>
    %min3A_1091 = vector.broadcast %jit3A_1088 : i32 to vector<16xi32>
    %min3A_1092 = arith.minsi %min3A_1091, %max3A_1090 : vector<16xi32>
    %lt3A_1093 = arith.constant 0 : i32
    %lt3A_1094 = vector.broadcast %lt3A_1093 : i32 to vector<16xi32>
    %lt3A_1095 = arith.cmpi slt, %min3A_1092, %lt3A_1094 : vector<16xi32>
    %add3A_1096 = arith.constant 16 : i32
    %add3A_1097 = vector.broadcast %add3A_1096 : i32 to vector<16xi32>
    %add3A_1098 = arith.addi %min3A_1092, %add3A_1097 : vector<16xi32>
    %select_n3A_1099 = arith.select %lt3A_1095, %add3A_1098, %min3A_1092 : vector<16xi1>, vector<16xi32>
    %broadcast_in_dim3A_1100 = vector.shape_cast %select_n3A_1099 : vector<16xi32> to vector<16x1xi32>
    %gather3A_1101 = vector.shape_cast %broadcast_in_dim3A_1100 : vector<16x1xi32> to vector<16xi32>
    %gather3A_1102 = tpu.dynamic_gather %add3A_130[%gather3A_1101] in [0] : vector<16xi32>, vector<16xi32> -> vector<16xi32>
    %ge3A_1103 = arith.constant 0 : i32
    %ge3A_1104 = vector.broadcast %ge3A_1103 : i32 to vector<16xi32>
    %ge3A_1105 = arith.cmpi sge, %get3A_1081, %ge3A_1104 : vector<16xi32>
    %lt3A_1106 = arith.constant 16 : i32
    %lt3A_1107 = vector.broadcast %lt3A_1106 : i32 to vector<16xi32>
    %lt3A_1108 = arith.cmpi slt, %get3A_1081, %lt3A_1107 : vector<16xi32>
    %and3A_1109 = arith.andi %ge3A_1105, %lt3A_1108 : vector<16xi1>
    %select_n3A_1110 = arith.select %and3A_1109, %gather3A_1102, %broadcast_in_dim3A_1083 : vector<16xi1>, vector<16xi32>
    %sub3A_1111 = arith.constant 16 : i32
    %sub3A_1112 = vector.broadcast %sub3A_1111 : i32 to vector<16xi32>
    %sub3A_1113 = arith.subi %get3A_1081, %sub3A_1112 : vector<16xi32>
    %jit3A_1114 = arith.constant 0 : i32
    %jit3A_1115 = arith.constant 15 : i32
    %max3A_1116 = vector.broadcast %jit3A_1114 : i32 to vector<16xi32>
    %max3A_1117 = arith.maxsi %max3A_1116, %sub3A_1113 : vector<16xi32>
    %min3A_1118 = vector.broadcast %jit3A_1115 : i32 to vector<16xi32>
    %min3A_1119 = arith.minsi %min3A_1118, %max3A_1117 : vector<16xi32>
    %lt3A_1120 = arith.constant 0 : i32
    %lt3A_1121 = vector.broadcast %lt3A_1120 : i32 to vector<16xi32>
    %lt3A_1122 = arith.cmpi slt, %min3A_1119, %lt3A_1121 : vector<16xi32>
    %add3A_1123 = arith.constant 16 : i32
    %add3A_1124 = vector.broadcast %add3A_1123 : i32 to vector<16xi32>
    %add3A_1125 = arith.addi %min3A_1119, %add3A_1124 : vector<16xi32>
    %select_n3A_1126 = arith.select %lt3A_1122, %add3A_1125, %min3A_1119 : vector<16xi1>, vector<16xi32>
    %broadcast_in_dim3A_1127 = vector.shape_cast %select_n3A_1126 : vector<16xi32> to vector<16x1xi32>
    %gather3A_1128 = vector.shape_cast %broadcast_in_dim3A_1127 : vector<16x1xi32> to vector<16xi32>
    %gather3A_1129 = tpu.dynamic_gather %add3A_246[%gather3A_1128] in [0] : vector<16xi32>, vector<16xi32> -> vector<16xi32>
    %ge3A_1130 = arith.constant 16 : i32
    %ge3A_1131 = vector.broadcast %ge3A_1130 : i32 to vector<16xi32>
    %ge3A_1132 = arith.cmpi sge, %get3A_1081, %ge3A_1131 : vector<16xi32>
    %lt3A_1133 = arith.constant 32 : i32
    %lt3A_1134 = vector.broadcast %lt3A_1133 : i32 to vector<16xi32>
    %lt3A_1135 = arith.cmpi slt, %get3A_1081, %lt3A_1134 : vector<16xi32>
    %and3A_1136 = arith.andi %ge3A_1132, %lt3A_1135 : vector<16xi1>
    %select_n3A_1137 = arith.select %and3A_1136, %gather3A_1129, %select_n3A_1110 : vector<16xi1>, vector<16xi32>
    %sub3A_1138 = arith.constant 32 : i32
    %sub3A_1139 = vector.broadcast %sub3A_1138 : i32 to vector<16xi32>
    %sub3A_1140 = arith.subi %get3A_1081, %sub3A_1139 : vector<16xi32>
    %jit3A_1141 = arith.constant 0 : i32
    %jit3A_1142 = arith.constant 15 : i32
    %max3A_1143 = vector.broadcast %jit3A_1141 : i32 to vector<16xi32>
    %max3A_1144 = arith.maxsi %max3A_1143, %sub3A_1140 : vector<16xi32>
    %min3A_1145 = vector.broadcast %jit3A_1142 : i32 to vector<16xi32>
    %min3A_1146 = arith.minsi %min3A_1145, %max3A_1144 : vector<16xi32>
    %lt3A_1147 = arith.constant 0 : i32
    %lt3A_1148 = vector.broadcast %lt3A_1147 : i32 to vector<16xi32>
    %lt3A_1149 = arith.cmpi slt, %min3A_1146, %lt3A_1148 : vector<16xi32>
    %add3A_1150 = arith.constant 16 : i32
    %add3A_1151 = vector.broadcast %add3A_1150 : i32 to vector<16xi32>
    %add3A_1152 = arith.addi %min3A_1146, %add3A_1151 : vector<16xi32>
    %select_n3A_1153 = arith.select %lt3A_1149, %add3A_1152, %min3A_1146 : vector<16xi1>, vector<16xi32>
    %broadcast_in_dim3A_1154 = vector.shape_cast %select_n3A_1153 : vector<16xi32> to vector<16x1xi32>
    %gather3A_1155 = vector.shape_cast %broadcast_in_dim3A_1154 : vector<16x1xi32> to vector<16xi32>
    %gather3A_1156 = tpu.dynamic_gather %add3A_362[%gather3A_1155] in [0] : vector<16xi32>, vector<16xi32> -> vector<16xi32>
    %ge3A_1157 = arith.constant 32 : i32
    %ge3A_1158 = vector.broadcast %ge3A_1157 : i32 to vector<16xi32>
    %ge3A_1159 = arith.cmpi sge, %get3A_1081, %ge3A_1158 : vector<16xi32>
    %lt3A_1160 = arith.constant 48 : i32
    %lt3A_1161 = vector.broadcast %lt3A_1160 : i32 to vector<16xi32>
    %lt3A_1162 = arith.cmpi slt, %get3A_1081, %lt3A_1161 : vector<16xi32>
    %and3A_1163 = arith.andi %ge3A_1159, %lt3A_1162 : vector<16xi1>
    %select_n3A_1164 = arith.select %and3A_1163, %gather3A_1156, %select_n3A_1137 : vector<16xi1>, vector<16xi32>
    %sub3A_1165 = arith.constant 48 : i32
    %sub3A_1166 = vector.broadcast %sub3A_1165 : i32 to vector<16xi32>
    %sub3A_1167 = arith.subi %get3A_1081, %sub3A_1166 : vector<16xi32>
    %jit3A_1168 = arith.constant 0 : i32
    %jit3A_1169 = arith.constant 15 : i32
    %max3A_1170 = vector.broadcast %jit3A_1168 : i32 to vector<16xi32>
    %max3A_1171 = arith.maxsi %max3A_1170, %sub3A_1167 : vector<16xi32>
    %min3A_1172 = vector.broadcast %jit3A_1169 : i32 to vector<16xi32>
    %min3A_1173 = arith.minsi %min3A_1172, %max3A_1171 : vector<16xi32>
    %lt3A_1174 = arith.constant 0 : i32
    %lt3A_1175 = vector.broadcast %lt3A_1174 : i32 to vector<16xi32>
    %lt3A_1176 = arith.cmpi slt, %min3A_1173, %lt3A_1175 : vector<16xi32>
    %add3A_1177 = arith.constant 16 : i32
    %add3A_1178 = vector.broadcast %add3A_1177 : i32 to vector<16xi32>
    %add3A_1179 = arith.addi %min3A_1173, %add3A_1178 : vector<16xi32>
    %select_n3A_1180 = arith.select %lt3A_1176, %add3A_1179, %min3A_1173 : vector<16xi1>, vector<16xi32>
    %broadcast_in_dim3A_1181 = vector.shape_cast %select_n3A_1180 : vector<16xi32> to vector<16x1xi32>
    %gather3A_1182 = vector.shape_cast %broadcast_in_dim3A_1181 : vector<16x1xi32> to vector<16xi32>
    %gather3A_1183 = tpu.dynamic_gather %add3A_478[%gather3A_1182] in [0] : vector<16xi32>, vector<16xi32> -> vector<16xi32>
    %ge3A_1184 = arith.constant 48 : i32
    %ge3A_1185 = vector.broadcast %ge3A_1184 : i32 to vector<16xi32>
    %ge3A_1186 = arith.cmpi sge, %get3A_1081, %ge3A_1185 : vector<16xi32>
    %lt3A_1187 = arith.constant 64 : i32
    %lt3A_1188 = vector.broadcast %lt3A_1187 : i32 to vector<16xi32>
    %lt3A_1189 = arith.cmpi slt, %get3A_1081, %lt3A_1188 : vector<16xi32>
    %and3A_1190 = arith.andi %ge3A_1186, %lt3A_1189 : vector<16xi1>
    %select_n3A_1191 = arith.select %and3A_1190, %gather3A_1183, %select_n3A_1164 : vector<16xi1>, vector<16xi32>
    %get3A_1192 = arith.constant 80 : index
    %get3A_1193 = tpu.vector_load %arg8[%get3A_1192] {strides = array<i32>} : memref<128xi32, #tpu.memory_space<vmem>>, vector<16xi32>,
    %get3A_1194 = vector.shape_cast %get3A_1193 : vector<16xi32> to vector<16xi32>
    %add3A_1195 = arith.addi %get3A_1194, %select_n3A_1191 : vector<16xi32>
    %swap3A_1196 = arith.constant 80 : index
    %swap3A_1197 = tpu.vector_load %arg9[%swap3A_1196] {strides = array<i32>} : memref<128xi32, #tpu.memory_space<vmem>>, vector<16xi32>,
    %swap3A_1198 = vector.shape_cast %swap3A_1197 : vector<16xi32> to vector<16xi32>
    %swap3A_1199 = vector.shape_cast %add3A_1195 : vector<16xi32> to vector<16xi32>
    tpu.vector_store %arg9[%swap3A_1196], %swap3A_1199 {strides = array<i32>} : memref<128xi32, #tpu.memory_space<vmem>>, vector<16xi32>,
    %get3A_1200 = arith.constant 96 : index
    %get3A_1201 = tpu.vector_load %arg7[%get3A_1200] {strides = array<i32>} : memref<128xi32, #tpu.memory_space<vmem>>, vector<16xi32>,
    %get3A_1202 = vector.shape_cast %get3A_1201 : vector<16xi32> to vector<16xi32>
    %broadcast_in_dim3A_1203 = arith.constant 0 : i32
    %broadcast_in_dim3A_1204 = vector.broadcast %broadcast_in_dim3A_1203 : i32 to vector<16xi32>
    %sub3A_1205 = arith.constant 0 : i32
    %sub3A_1206 = vector.broadcast %sub3A_1205 : i32 to vector<16xi32>
    %sub3A_1207 = arith.subi %get3A_1202, %sub3A_1206 : vector<16xi32>
    %jit3A_1208 = arith.constant 0 : i32
    %jit3A_1209 = arith.constant 15 : i32
    %max3A_1210 = vector.broadcast %jit3A_1208 : i32 to vector<16xi32>
    %max3A_1211 = arith.maxsi %max3A_1210, %sub3A_1207 : vector<16xi32>
    %min3A_1212 = vector.broadcast %jit3A_1209 : i32 to vector<16xi32>
    %min3A_1213 = arith.minsi %min3A_1212, %max3A_1211 : vector<16xi32>
    %lt3A_1214 = arith.constant 0 : i32
    %lt3A_1215 = vector.broadcast %lt3A_1214 : i32 to vector<16xi32>
    %lt3A_1216 = arith.cmpi slt, %min3A_1213, %lt3A_1215 : vector<16xi32>
    %add3A_1217 = arith.constant 16 : i32
    %add3A_1218 = vector.broadcast %add3A_1217 : i32 to vector<16xi32>
    %add3A_1219 = arith.addi %min3A_1213, %add3A_1218 : vector<16xi32>
    %select_n3A_1220 = arith.select %lt3A_1216, %add3A_1219, %min3A_1213 : vector<16xi1>, vector<16xi32>
    %broadcast_in_dim3A_1221 = vector.shape_cast %select_n3A_1220 : vector<16xi32> to vector<16x1xi32>
    %gather3A_1222 = vector.shape_cast %broadcast_in_dim3A_1221 : vector<16x1xi32> to vector<16xi32>
    %gather3A_1223 = tpu.dynamic_gather %add3A_130[%gather3A_1222] in [0] : vector<16xi32>, vector<16xi32> -> vector<16xi32>
    %ge3A_1224 = arith.constant 0 : i32
    %ge3A_1225 = vector.broadcast %ge3A_1224 : i32 to vector<16xi32>
    %ge3A_1226 = arith.cmpi sge, %get3A_1202, %ge3A_1225 : vector<16xi32>
    %lt3A_1227 = arith.constant 16 : i32
    %lt3A_1228 = vector.broadcast %lt3A_1227 : i32 to vector<16xi32>
    %lt3A_1229 = arith.cmpi slt, %get3A_1202, %lt3A_1228 : vector<16xi32>
    %and3A_1230 = arith.andi %ge3A_1226, %lt3A_1229 : vector<16xi1>
    %select_n3A_1231 = arith.select %and3A_1230, %gather3A_1223, %broadcast_in_dim3A_1204 : vector<16xi1>, vector<16xi32>
    %sub3A_1232 = arith.constant 16 : i32
    %sub3A_1233 = vector.broadcast %sub3A_1232 : i32 to vector<16xi32>
    %sub3A_1234 = arith.subi %get3A_1202, %sub3A_1233 : vector<16xi32>
    %jit3A_1235 = arith.constant 0 : i32
    %jit3A_1236 = arith.constant 15 : i32
    %max3A_1237 = vector.broadcast %jit3A_1235 : i32 to vector<16xi32>
    %max3A_1238 = arith.maxsi %max3A_1237, %sub3A_1234 : vector<16xi32>
    %min3A_1239 = vector.broadcast %jit3A_1236 : i32 to vector<16xi32>
    %min3A_1240 = arith.minsi %min3A_1239, %max3A_1238 : vector<16xi32>
    %lt3A_1241 = arith.constant 0 : i32
    %lt3A_1242 = vector.broadcast %lt3A_1241 : i32 to vector<16xi32>
    %lt3A_1243 = arith.cmpi slt, %min3A_1240, %lt3A_1242 : vector<16xi32>
    %add3A_1244 = arith.constant 16 : i32
    %add3A_1245 = vector.broadcast %add3A_1244 : i32 to vector<16xi32>
    %add3A_1246 = arith.addi %min3A_1240, %add3A_1245 : vector<16xi32>
    %select_n3A_1247 = arith.select %lt3A_1243, %add3A_1246, %min3A_1240 : vector<16xi1>, vector<16xi32>
    %broadcast_in_dim3A_1248 = vector.shape_cast %select_n3A_1247 : vector<16xi32> to vector<16x1xi32>
    %gather3A_1249 = vector.shape_cast %broadcast_in_dim3A_1248 : vector<16x1xi32> to vector<16xi32>
    %gather3A_1250 = tpu.dynamic_gather %add3A_246[%gather3A_1249] in [0] : vector<16xi32>, vector<16xi32> -> vector<16xi32>
    %ge3A_1251 = arith.constant 16 : i32
    %ge3A_1252 = vector.broadcast %ge3A_1251 : i32 to vector<16xi32>
    %ge3A_1253 = arith.cmpi sge, %get3A_1202, %ge3A_1252 : vector<16xi32>
    %lt3A_1254 = arith.constant 32 : i32
    %lt3A_1255 = vector.broadcast %lt3A_1254 : i32 to vector<16xi32>
    %lt3A_1256 = arith.cmpi slt, %get3A_1202, %lt3A_1255 : vector<16xi32>
    %and3A_1257 = arith.andi %ge3A_1253, %lt3A_1256 : vector<16xi1>
    %select_n3A_1258 = arith.select %and3A_1257, %gather3A_1250, %select_n3A_1231 : vector<16xi1>, vector<16xi32>
    %sub3A_1259 = arith.constant 32 : i32
    %sub3A_1260 = vector.broadcast %sub3A_1259 : i32 to vector<16xi32>
    %sub3A_1261 = arith.subi %get3A_1202, %sub3A_1260 : vector<16xi32>
    %jit3A_1262 = arith.constant 0 : i32
    %jit3A_1263 = arith.constant 15 : i32
    %max3A_1264 = vector.broadcast %jit3A_1262 : i32 to vector<16xi32>
    %max3A_1265 = arith.maxsi %max3A_1264, %sub3A_1261 : vector<16xi32>
    %min3A_1266 = vector.broadcast %jit3A_1263 : i32 to vector<16xi32>
    %min3A_1267 = arith.minsi %min3A_1266, %max3A_1265 : vector<16xi32>
    %lt3A_1268 = arith.constant 0 : i32
    %lt3A_1269 = vector.broadcast %lt3A_1268 : i32 to vector<16xi32>
    %lt3A_1270 = arith.cmpi slt, %min3A_1267, %lt3A_1269 : vector<16xi32>
    %add3A_1271 = arith.constant 16 : i32
    %add3A_1272 = vector.broadcast %add3A_1271 : i32 to vector<16xi32>
    %add3A_1273 = arith.addi %min3A_1267, %add3A_1272 : vector<16xi32>
    %select_n3A_1274 = arith.select %lt3A_1270, %add3A_1273, %min3A_1267 : vector<16xi1>, vector<16xi32>
    %broadcast_in_dim3A_1275 = vector.shape_cast %select_n3A_1274 : vector<16xi32> to vector<16x1xi32>
    %gather3A_1276 = vector.shape_cast %broadcast_in_dim3A_1275 : vector<16x1xi32> to vector<16xi32>
    %gather3A_1277 = tpu.dynamic_gather %add3A_362[%gather3A_1276] in [0] : vector<16xi32>, vector<16xi32> -> vector<16xi32>
    %ge3A_1278 = arith.constant 32 : i32
    %ge3A_1279 = vector.broadcast %ge3A_1278 : i32 to vector<16xi32>
    %ge3A_1280 = arith.cmpi sge, %get3A_1202, %ge3A_1279 : vector<16xi32>
    %lt3A_1281 = arith.constant 48 : i32
    %lt3A_1282 = vector.broadcast %lt3A_1281 : i32 to vector<16xi32>
    %lt3A_1283 = arith.cmpi slt, %get3A_1202, %lt3A_1282 : vector<16xi32>
    %and3A_1284 = arith.andi %ge3A_1280, %lt3A_1283 : vector<16xi1>
    %select_n3A_1285 = arith.select %and3A_1284, %gather3A_1277, %select_n3A_1258 : vector<16xi1>, vector<16xi32>
    %sub3A_1286 = arith.constant 48 : i32
    %sub3A_1287 = vector.broadcast %sub3A_1286 : i32 to vector<16xi32>
    %sub3A_1288 = arith.subi %get3A_1202, %sub3A_1287 : vector<16xi32>
    %jit3A_1289 = arith.constant 0 : i32
    %jit3A_1290 = arith.constant 15 : i32
    %max3A_1291 = vector.broadcast %jit3A_1289 : i32 to vector<16xi32>
    %max3A_1292 = arith.maxsi %max3A_1291, %sub3A_1288 : vector<16xi32>
    %min3A_1293 = vector.broadcast %jit3A_1290 : i32 to vector<16xi32>
    %min3A_1294 = arith.minsi %min3A_1293, %max3A_1292 : vector<16xi32>
    %lt3A_1295 = arith.constant 0 : i32
    %lt3A_1296 = vector.broadcast %lt3A_1295 : i32 to vector<16xi32>
    %lt3A_1297 = arith.cmpi slt, %min3A_1294, %lt3A_1296 : vector<16xi32>
    %add3A_1298 = arith.constant 16 : i32
    %add3A_1299 = vector.broadcast %add3A_1298 : i32 to vector<16xi32>
    %add3A_1300 = arith.addi %min3A_1294, %add3A_1299 : vector<16xi32>
    %select_n3A_1301 = arith.select %lt3A_1297, %add3A_1300, %min3A_1294 : vector<16xi1>, vector<16xi32>
    %broadcast_in_dim3A_1302 = vector.shape_cast %select_n3A_1301 : vector<16xi32> to vector<16x1xi32>
    %gather3A_1303 = vector.shape_cast %broadcast_in_dim3A_1302 : vector<16x1xi32> to vector<16xi32>
    %gather3A_1304 = tpu.dynamic_gather %add3A_478[%gather3A_1303] in [0] : vector<16xi32>, vector<16xi32> -> vector<16xi32>
    %ge3A_1305 = arith.constant 48 : i32
    %ge3A_1306 = vector.broadcast %ge3A_1305 : i32 to vector<16xi32>
    %ge3A_1307 = arith.cmpi sge, %get3A_1202, %ge3A_1306 : vector<16xi32>
    %lt3A_1308 = arith.constant 64 : i32
    %lt3A_1309 = vector.broadcast %lt3A_1308 : i32 to vector<16xi32>
    %lt3A_1310 = arith.cmpi slt, %get3A_1202, %lt3A_1309 : vector<16xi32>
    %and3A_1311 = arith.andi %ge3A_1307, %lt3A_1310 : vector<16xi1>
    %select_n3A_1312 = arith.select %and3A_1311, %gather3A_1304, %select_n3A_1285 : vector<16xi1>, vector<16xi32>
    %get3A_1313 = arith.constant 96 : index
    %get3A_1314 = tpu.vector_load %arg8[%get3A_1313] {strides = array<i32>} : memref<128xi32, #tpu.memory_space<vmem>>, vector<16xi32>,
    %get3A_1315 = vector.shape_cast %get3A_1314 : vector<16xi32> to vector<16xi32>
    %add3A_1316 = arith.addi %get3A_1315, %select_n3A_1312 : vector<16xi32>
    %swap3A_1317 = arith.constant 96 : index
    %swap3A_1318 = tpu.vector_load %arg9[%swap3A_1317] {strides = array<i32>} : memref<128xi32, #tpu.memory_space<vmem>>, vector<16xi32>,
    %swap3A_1319 = vector.shape_cast %swap3A_1318 : vector<16xi32> to vector<16xi32>
    %swap3A_1320 = vector.shape_cast %add3A_1316 : vector<16xi32> to vector<16xi32>
    tpu.vector_store %arg9[%swap3A_1317], %swap3A_1320 {strides = array<i32>} : memref<128xi32, #tpu.memory_space<vmem>>, vector<16xi32>,
    %get3A_1321 = arith.constant 112 : index
    %get3A_1322 = tpu.vector_load %arg7[%get3A_1321] {strides = array<i32>} : memref<128xi32, #tpu.memory_space<vmem>>, vector<16xi32>,
    %get3A_1323 = vector.shape_cast %get3A_1322 : vector<16xi32> to vector<16xi32>
    %broadcast_in_dim3A_1324 = arith.constant 0 : i32
    %broadcast_in_dim3A_1325 = vector.broadcast %broadcast_in_dim3A_1324 : i32 to vector<16xi32>
    %sub3A_1326 = arith.constant 0 : i32
    %sub3A_1327 = vector.broadcast %sub3A_1326 : i32 to vector<16xi32>
    %sub3A_1328 = arith.subi %get3A_1323, %sub3A_1327 : vector<16xi32>
    %jit3A_1329 = arith.constant 0 : i32
    %jit3A_1330 = arith.constant 15 : i32
    %max3A_1331 = vector.broadcast %jit3A_1329 : i32 to vector<16xi32>
    %max3A_1332 = arith.maxsi %max3A_1331, %sub3A_1328 : vector<16xi32>
    %min3A_1333 = vector.broadcast %jit3A_1330 : i32 to vector<16xi32>
    %min3A_1334 = arith.minsi %min3A_1333, %max3A_1332 : vector<16xi32>
    %lt3A_1335 = arith.constant 0 : i32
    %lt3A_1336 = vector.broadcast %lt3A_1335 : i32 to vector<16xi32>
    %lt3A_1337 = arith.cmpi slt, %min3A_1334, %lt3A_1336 : vector<16xi32>
    %add3A_1338 = arith.constant 16 : i32
    %add3A_1339 = vector.broadcast %add3A_1338 : i32 to vector<16xi32>
    %add3A_1340 = arith.addi %min3A_1334, %add3A_1339 : vector<16xi32>
    %select_n3A_1341 = arith.select %lt3A_1337, %add3A_1340, %min3A_1334 : vector<16xi1>, vector<16xi32>
    %broadcast_in_dim3A_1342 = vector.shape_cast %select_n3A_1341 : vector<16xi32> to vector<16x1xi32>
    %gather3A_1343 = vector.shape_cast %broadcast_in_dim3A_1342 : vector<16x1xi32> to vector<16xi32>
    %gather3A_1344 = tpu.dynamic_gather %add3A_130[%gather3A_1343] in [0] : vector<16xi32>, vector<16xi32> -> vector<16xi32>
    %ge3A_1345 = arith.constant 0 : i32
    %ge3A_1346 = vector.broadcast %ge3A_1345 : i32 to vector<16xi32>
    %ge3A_1347 = arith.cmpi sge, %get3A_1323, %ge3A_1346 : vector<16xi32>
    %lt3A_1348 = arith.constant 16 : i32
    %lt3A_1349 = vector.broadcast %lt3A_1348 : i32 to vector<16xi32>
    %lt3A_1350 = arith.cmpi slt, %get3A_1323, %lt3A_1349 : vector<16xi32>
    %and3A_1351 = arith.andi %ge3A_1347, %lt3A_1350 : vector<16xi1>
    %select_n3A_1352 = arith.select %and3A_1351, %gather3A_1344, %broadcast_in_dim3A_1325 : vector<16xi1>, vector<16xi32>
    %sub3A_1353 = arith.constant 16 : i32
    %sub3A_1354 = vector.broadcast %sub3A_1353 : i32 to vector<16xi32>
    %sub3A_1355 = arith.subi %get3A_1323, %sub3A_1354 : vector<16xi32>
    %jit3A_1356 = arith.constant 0 : i32
    %jit3A_1357 = arith.constant 15 : i32
    %max3A_1358 = vector.broadcast %jit3A_1356 : i32 to vector<16xi32>
    %max3A_1359 = arith.maxsi %max3A_1358, %sub3A_1355 : vector<16xi32>
    %min3A_1360 = vector.broadcast %jit3A_1357 : i32 to vector<16xi32>
    %min3A_1361 = arith.minsi %min3A_1360, %max3A_1359 : vector<16xi32>
    %lt3A_1362 = arith.constant 0 : i32
    %lt3A_1363 = vector.broadcast %lt3A_1362 : i32 to vector<16xi32>
    %lt3A_1364 = arith.cmpi slt, %min3A_1361, %lt3A_1363 : vector<16xi32>
    %add3A_1365 = arith.constant 16 : i32
    %add3A_1366 = vector.broadcast %add3A_1365 : i32 to vector<16xi32>
    %add3A_1367 = arith.addi %min3A_1361, %add3A_1366 : vector<16xi32>
    %select_n3A_1368 = arith.select %lt3A_1364, %add3A_1367, %min3A_1361 : vector<16xi1>, vector<16xi32>
    %broadcast_in_dim3A_1369 = vector.shape_cast %select_n3A_1368 : vector<16xi32> to vector<16x1xi32>
    %gather3A_1370 = vector.shape_cast %broadcast_in_dim3A_1369 : vector<16x1xi32> to vector<16xi32>
    %gather3A_1371 = tpu.dynamic_gather %add3A_246[%gather3A_1370] in [0] : vector<16xi32>, vector<16xi32> -> vector<16xi32>
    %ge3A_1372 = arith.constant 16 : i32
    %ge3A_1373 = vector.broadcast %ge3A_1372 : i32 to vector<16xi32>
    %ge3A_1374 = arith.cmpi sge, %get3A_1323, %ge3A_1373 : vector<16xi32>
    %lt3A_1375 = arith.constant 32 : i32
    %lt3A_1376 = vector.broadcast %lt3A_1375 : i32 to vector<16xi32>
    %lt3A_1377 = arith.cmpi slt, %get3A_1323, %lt3A_1376 : vector<16xi32>
    %and3A_1378 = arith.andi %ge3A_1374, %lt3A_1377 : vector<16xi1>
    %select_n3A_1379 = arith.select %and3A_1378, %gather3A_1371, %select_n3A_1352 : vector<16xi1>, vector<16xi32>
    %sub3A_1380 = arith.constant 32 : i32
    %sub3A_1381 = vector.broadcast %sub3A_1380 : i32 to vector<16xi32>
    %sub3A_1382 = arith.subi %get3A_1323, %sub3A_1381 : vector<16xi32>
    %jit3A_1383 = arith.constant 0 : i32
    %jit3A_1384 = arith.constant 15 : i32
    %max3A_1385 = vector.broadcast %jit3A_1383 : i32 to vector<16xi32>
    %max3A_1386 = arith.maxsi %max3A_1385, %sub3A_1382 : vector<16xi32>
    %min3A_1387 = vector.broadcast %jit3A_1384 : i32 to vector<16xi32>
    %min3A_1388 = arith.minsi %min3A_1387, %max3A_1386 : vector<16xi32>
    %lt3A_1389 = arith.constant 0 : i32
    %lt3A_1390 = vector.broadcast %lt3A_1389 : i32 to vector<16xi32>
    %lt3A_1391 = arith.cmpi slt, %min3A_1388, %lt3A_1390 : vector<16xi32>
    %add3A_1392 = arith.constant 16 : i32
    %add3A_1393 = vector.broadcast %add3A_1392 : i32 to vector<16xi32>
    %add3A_1394 = arith.addi %min3A_1388, %add3A_1393 : vector<16xi32>
    %select_n3A_1395 = arith.select %lt3A_1391, %add3A_1394, %min3A_1388 : vector<16xi1>, vector<16xi32>
    %broadcast_in_dim3A_1396 = vector.shape_cast %select_n3A_1395 : vector<16xi32> to vector<16x1xi32>
    %gather3A_1397 = vector.shape_cast %broadcast_in_dim3A_1396 : vector<16x1xi32> to vector<16xi32>
    %gather3A_1398 = tpu.dynamic_gather %add3A_362[%gather3A_1397] in [0] : vector<16xi32>, vector<16xi32> -> vector<16xi32>
    %ge3A_1399 = arith.constant 32 : i32
    %ge3A_1400 = vector.broadcast %ge3A_1399 : i32 to vector<16xi32>
    %ge3A_1401 = arith.cmpi sge, %get3A_1323, %ge3A_1400 : vector<16xi32>
    %lt3A_1402 = arith.constant 48 : i32
    %lt3A_1403 = vector.broadcast %lt3A_1402 : i32 to vector<16xi32>
    %lt3A_1404 = arith.cmpi slt, %get3A_1323, %lt3A_1403 : vector<16xi32>
    %and3A_1405 = arith.andi %ge3A_1401, %lt3A_1404 : vector<16xi1>
    %select_n3A_1406 = arith.select %and3A_1405, %gather3A_1398, %select_n3A_1379 : vector<16xi1>, vector<16xi32>
    %sub3A_1407 = arith.constant 48 : i32
    %sub3A_1408 = vector.broadcast %sub3A_1407 : i32 to vector<16xi32>
    %sub3A_1409 = arith.subi %get3A_1323, %sub3A_1408 : vector<16xi32>
    %jit3A_1410 = arith.constant 0 : i32
    %jit3A_1411 = arith.constant 15 : i32
    %max3A_1412 = vector.broadcast %jit3A_1410 : i32 to vector<16xi32>
    %max3A_1413 = arith.maxsi %max3A_1412, %sub3A_1409 : vector<16xi32>
    %min3A_1414 = vector.broadcast %jit3A_1411 : i32 to vector<16xi32>
    %min3A_1415 = arith.minsi %min3A_1414, %max3A_1413 : vector<16xi32>
    %lt3A_1416 = arith.constant 0 : i32
    %lt3A_1417 = vector.broadcast %lt3A_1416 : i32 to vector<16xi32>
    %lt3A_1418 = arith.cmpi slt, %min3A_1415, %lt3A_1417 : vector<16xi32>
    %add3A_1419 = arith.constant 16 : i32
    %add3A_1420 = vector.broadcast %add3A_1419 : i32 to vector<16xi32>
    %add3A_1421 = arith.addi %min3A_1415, %add3A_1420 : vector<16xi32>
    %select_n3A_1422 = arith.select %lt3A_1418, %add3A_1421, %min3A_1415 : vector<16xi1>, vector<16xi32>
    %broadcast_in_dim3A_1423 = vector.shape_cast %select_n3A_1422 : vector<16xi32> to vector<16x1xi32>
    %gather3A_1424 = vector.shape_cast %broadcast_in_dim3A_1423 : vector<16x1xi32> to vector<16xi32>
    %gather3A_1425 = tpu.dynamic_gather %add3A_478[%gather3A_1424] in [0] : vector<16xi32>, vector<16xi32> -> vector<16xi32>
    %ge3A_1426 = arith.constant 48 : i32
    %ge3A_1427 = vector.broadcast %ge3A_1426 : i32 to vector<16xi32>
    %ge3A_1428 = arith.cmpi sge, %get3A_1323, %ge3A_1427 : vector<16xi32>
    %lt3A_1429 = arith.constant 64 : i32
    %lt3A_1430 = vector.broadcast %lt3A_1429 : i32 to vector<16xi32>
    %lt3A_1431 = arith.cmpi slt, %get3A_1323, %lt3A_1430 : vector<16xi32>
    %and3A_1432 = arith.andi %ge3A_1428, %lt3A_1431 : vector<16xi1>
    %select_n3A_1433 = arith.select %and3A_1432, %gather3A_1425, %select_n3A_1406 : vector<16xi1>, vector<16xi32>
    %get3A_1434 = arith.constant 112 : index
    %get3A_1435 = tpu.vector_load %arg8[%get3A_1434] {strides = array<i32>} : memref<128xi32, #tpu.memory_space<vmem>>, vector<16xi32>,
    %get3A_1436 = vector.shape_cast %get3A_1435 : vector<16xi32> to vector<16xi32>
    %add3A_1437 = arith.addi %get3A_1436, %select_n3A_1433 : vector<16xi32>
    %swap3A_1438 = arith.constant 112 : index
    %swap3A_1439 = tpu.vector_load %arg9[%swap3A_1438] {strides = array<i32>} : memref<128xi32, #tpu.memory_space<vmem>>, vector<16xi32>,
    %swap3A_1440 = vector.shape_cast %swap3A_1439 : vector<16xi32> to vector<16xi32>
    %swap3A_1441 = vector.shape_cast %add3A_1437 : vector<16xi32> to vector<16xi32>
    tpu.vector_store %arg9[%swap3A_1438], %swap3A_1441 {strides = array<i32>} : memref<128xi32, #tpu.memory_space<vmem>>, vector<16xi32>,
    "tpu.region"() ({
      %run_scoped3A = tpu.sem_alloc : memref<!tpu.dma_semaphore, #tpu.memory_space<semaphore_mem>>
      %dma_start3A = tpu.memref_slice %arg5[%mul3A_2] : memref<4096xi32, #tpu.memory_space<hbm>> -> memref<128xi32, #tpu.memory_space<hbm>>
      %dma_start3A_1444 = tpu.memref_slice %arg5[%mul3A_2] : memref<4096xi32, #tpu.memory_space<hbm>> -> memref<128xi32, #tpu.memory_space<hbm>>
      tpu.enqueue_dma source(%arg9 : memref<128xi32, #tpu.memory_space<vmem>>) target(%dma_start3A_1444 : memref<128xi32, #tpu.memory_space<hbm>>) target_semaphore(%run_scoped3A : memref<!tpu.dma_semaphore, #tpu.memory_space<semaphore_mem>>)
      %dma_wait3A = tpu.memref_slice %arg5[%mul3A_2] : memref<4096xi32, #tpu.memory_space<hbm>> -> memref<128xi32, #tpu.memory_space<hbm>>
      %dma_wait3A_1445 = tpu.memref_slice %arg5[%mul3A_2] : memref<4096xi32, #tpu.memory_space<hbm>> -> memref<128xi32, #tpu.memory_space<hbm>>
      tpu.wait_dma2 semaphore(%run_scoped3A : memref<!tpu.dma_semaphore, #tpu.memory_space<semaphore_mem>>) src(%arg9 : memref<128xi32, #tpu.memory_space<vmem>>) dst(%dma_wait3A_1445 : memref<128xi32, #tpu.memory_space<hbm>>)
      tpu.yield
    }) : () -> ()
    %eq3A = arith.constant 0 : i32
    %eq3A_1442 = arith.cmpi eq, %add3A, %eq3A : i32
    %convert_element_type3A = arith.extui %eq3A_1442 : i1 to i32
    %cond3A = arith.constant 0 : i32
    %cond3A_1443 = arith.cmpi ne, %convert_element_type3A, %cond3A : i32
    scf.if %cond3A_1443 {
      %swap3A_1444 = arith.constant 0 : index
      %swap3A_1445 = tpu.vector_load %arg11[%swap3A_1444] {strides = array<i32>} : memref<64xi32, #tpu.memory_space<vmem>>, vector<16xi32>,
      %swap3A_1446 = vector.shape_cast %swap3A_1445 : vector<16xi32> to vector<16xi32>
      %swap3A_1447 = vector.shape_cast %add3A_131 : vector<16xi32> to vector<16xi32>
      tpu.vector_store %arg11[%swap3A_1444], %swap3A_1447 {strides = array<i32>} : memref<64xi32, #tpu.memory_space<vmem>>, vector<16xi32>,
      %swap3A_1448 = arith.constant 16 : index
      %swap3A_1449 = tpu.vector_load %arg11[%swap3A_1448] {strides = array<i32>} : memref<64xi32, #tpu.memory_space<vmem>>, vector<16xi32>,
      %swap3A_1450 = vector.shape_cast %swap3A_1449 : vector<16xi32> to vector<16xi32>
      %swap3A_1451 = vector.shape_cast %add3A_247 : vector<16xi32> to vector<16xi32>
      tpu.vector_store %arg11[%swap3A_1448], %swap3A_1451 {strides = array<i32>} : memref<64xi32, #tpu.memory_space<vmem>>, vector<16xi32>,
      %swap3A_1452 = arith.constant 32 : index
      %swap3A_1453 = tpu.vector_load %arg11[%swap3A_1452] {strides = array<i32>} : memref<64xi32, #tpu.memory_space<vmem>>, vector<16xi32>,
      %swap3A_1454 = vector.shape_cast %swap3A_1453 : vector<16xi32> to vector<16xi32>
      %swap3A_1455 = vector.shape_cast %add3A_363 : vector<16xi32> to vector<16xi32>
      tpu.vector_store %arg11[%swap3A_1452], %swap3A_1455 {strides = array<i32>} : memref<64xi32, #tpu.memory_space<vmem>>, vector<16xi32>,
      %swap3A_1456 = arith.constant 48 : index
      %swap3A_1457 = tpu.vector_load %arg11[%swap3A_1456] {strides = array<i32>} : memref<64xi32, #tpu.memory_space<vmem>>, vector<16xi32>,
      %swap3A_1458 = vector.shape_cast %swap3A_1457 : vector<16xi32> to vector<16xi32>
      %swap3A_1459 = vector.shape_cast %add3A_479 : vector<16xi32> to vector<16xi32>
      tpu.vector_store %arg11[%swap3A_1456], %swap3A_1459 {strides = array<i32>} : memref<64xi32, #tpu.memory_space<vmem>>, vector<16xi32>,
      "tpu.region"() ({
        %run_scoped3A = tpu.sem_alloc : memref<!tpu.dma_semaphore, #tpu.memory_space<semaphore_mem>>
        tpu.enqueue_dma source(%arg11 : memref<64xi32, #tpu.memory_space<vmem>>) target(%arg6 : memref<64xi32, #tpu.memory_space<hbm>>) target_semaphore(%run_scoped3A : memref<!tpu.dma_semaphore, #tpu.memory_space<semaphore_mem>>)
        tpu.wait_dma2 semaphore(%run_scoped3A : memref<!tpu.dma_semaphore, #tpu.memory_space<semaphore_mem>>) src(%arg11 : memref<64xi32, #tpu.memory_space<vmem>>) dst(%arg6 : memref<64xi32, #tpu.memory_space<hbm>>)
        tpu.yield
      }) : () -> ()
    } else {
    }
    return
  }
}

module attributes {stable_mosaic.version = 14 : i64} {
  func.func @_stage2_kernel(%arg0: i32, %arg1: memref<1x512xi32, #tpu.memory_space<vmem>>, %arg2: memref<1x512xf32, #tpu.memory_space<vmem>>, %arg3: memref<1x512xi32, #tpu.memory_space<vmem>>, %arg4: memref<64x1xf32, #tpu.memory_space<vmem>>, %arg5: memref<64x1xi32, #tpu.memory_space<vmem>>, %arg6: memref<64x64x512xf32, #tpu.memory_space<vmem>>, %arg7: memref<64x64x512xi8, #tpu.memory_space<vmem>>, %arg8: memref<1x1xf32, #tpu.memory_space<vmem>>) attributes {dimension_semantics = [#tpu.dimension_semantics<arbitrary>], iteration_bounds = array<i64: 8>, scalar_prefetch = 0 : i64, scratch_operands = 0 : i64, tpu.core_type = #tpu.core_type<tc>, window_params = [{transform_indices = @transform_0, window_bounds = array<i64: 1, 512>}, {transform_indices = @transform_1, window_bounds = array<i64: 1, 512>}, {transform_indices = @transform_2, window_bounds = array<i64: 1, 512>}, {pipeline_mode = #tpu.pipeline_mode<synchronous>, transform_indices = @transform_3, window_bounds = array<i64: 64, 1>}, {pipeline_mode = #tpu.pipeline_mode<synchronous>, transform_indices = @transform_4, window_bounds = array<i64: 64, 1>}, {transform_indices = @transform_5, window_bounds = array<i64: 64, 64, 512>}, {transform_indices = @transform_6, window_bounds = array<i64: 64, 64, 512>}, {pipeline_mode = #tpu.pipeline_mode<synchronous>, transform_indices = @transform_7, window_bounds = array<i64: 1, 1>}]} {
    %get3A = arith.constant 0 : index
    %get3A_0 = arith.constant 0 : index
    %get3A_1 = vector.load %arg1[%get3A, %get3A_0] : memref<1x512xi32, #tpu.memory_space<vmem>>, vector<1x512xi32>
    %get3A_2 = arith.constant 0 : index
    %get3A_3 = arith.constant 0 : index
    %get3A_4 = vector.load %arg2[%get3A_2, %get3A_3] : memref<1x512xf32, #tpu.memory_space<vmem>>, vector<1x512xf32>
    %get3A_5 = arith.constant 0 : index
    %get3A_6 = arith.constant 0 : index
    %get3A_7 = vector.load %arg3[%get3A_5, %get3A_6] : memref<1x512xi32, #tpu.memory_space<vmem>>, vector<1x512xi32>
    %lt3A = arith.constant 64 : i32
    %lt3A_8 = vector.broadcast %lt3A : i32 to vector<1x512xi32>
    %lt3A_9 = arith.cmpi slt, %get3A_7, %lt3A_8 : vector<1x512xi32>
    %jit3A = arith.constant -1 : i32
    %broadcast_in_dim3A = vector.broadcast %jit3A : i32 to vector<1x512xi32>
    %select_n3A = arith.select %lt3A_9, %get3A_7, %broadcast_in_dim3A : vector<1x512xi1>, vector<1x512xi32>
    %jit3A_10 = arith.constant -1 : i32
    %broadcast_in_dim3A_11 = vector.broadcast %jit3A_10 : i32 to vector<1x512xi32>
    %select_n3A_12 = arith.select %lt3A_9, %get3A_1, %broadcast_in_dim3A_11 : vector<1x512xi1>, vector<1x512xi32>
    %jit3A_13 = arith.constant 0.000000e+00 : f32
    %broadcast_in_dim3A_14 = vector.broadcast %jit3A_13 : f32 to vector<1x512xf32>
    %select_n3A_15 = arith.select %lt3A_9, %get3A_4, %broadcast_in_dim3A_14 : vector<1x512xi1>, vector<1x512xf32>
    %iota3A = tpu.iota {dimensions = array<i32: 0>} : vector<64x64x512xi32>
    %iota3A_16 = tpu.iota {dimensions = array<i32: 1>} : vector<64x64x512xi32>
    %broadcast_in_dim3A_17 = vector.shape_cast %select_n3A_12 : vector<1x512xi32> to vector<1x1x512xi32>
    %eq3A = vector.broadcast %broadcast_in_dim3A_17 : vector<1x1x512xi32> to vector<64x64x512xi32>
    %eq3A_18 = arith.cmpi eq, %iota3A, %eq3A : vector<64x64x512xi32>
    %broadcast_in_dim3A_19 = vector.shape_cast %select_n3A : vector<1x512xi32> to vector<1x1x512xi32>
    %eq3A_20 = vector.broadcast %broadcast_in_dim3A_19 : vector<1x1x512xi32> to vector<64x64x512xi32>
    %eq3A_21 = arith.cmpi eq, %iota3A_16, %eq3A_20 : vector<64x64x512xi32>
    %and3A = arith.andi %eq3A_18, %eq3A_21 : vector<64x64x512xi1>
    %broadcast_in_dim3A_22 = vector.shape_cast %select_n3A_15 : vector<1x512xf32> to vector<1x1x512xf32>
    %jit3A_23 = arith.constant 0.000000e+00 : f32
    %broadcast_in_dim3A_24 = vector.shape_cast %broadcast_in_dim3A_22 : vector<1x1x512xf32> to vector<1x1x512xf32>
    %broadcast_in_dim3A_25 = vector.broadcast %broadcast_in_dim3A_24 : vector<1x1x512xf32> to vector<64x64x512xf32>
    %broadcast_in_dim3A_26 = vector.broadcast %jit3A_23 : f32 to vector<64x64x512xf32>
    %select_n3A_27 = arith.select %and3A, %broadcast_in_dim3A_25, %broadcast_in_dim3A_26 : vector<64x64x512xi1>, vector<64x64x512xf32>
    %swap3A = arith.constant 0 : index
    %swap3A_28 = arith.constant 0 : index
    %swap3A_29 = arith.constant 0 : index
    %swap3A_30 = vector.load %arg6[%swap3A, %swap3A_28, %swap3A_29] : memref<64x64x512xf32, #tpu.memory_space<vmem>>, vector<64x64x512xf32>
    tpu.vector_store %arg6[%swap3A, %swap3A_28, %swap3A_29], %select_n3A_27 {strides = array<i32>} : memref<64x64x512xf32, #tpu.memory_space<vmem>>, vector<64x64x512xf32>,
    %convert_element_type3A = arith.extui %and3A : vector<64x64x512xi1> to vector<64x64x512xi8>
    %swap3A_31 = arith.constant 0 : index
    %swap3A_32 = arith.constant 0 : index
    %swap3A_33 = arith.constant 0 : index
    %swap3A_34 = vector.load %arg7[%swap3A_31, %swap3A_32, %swap3A_33] : memref<64x64x512xi8, #tpu.memory_space<vmem>>, vector<64x64x512xi8>
    tpu.vector_store %arg7[%swap3A_31, %swap3A_32, %swap3A_33], %convert_element_type3A {strides = array<i32>} : memref<64x64x512xi8, #tpu.memory_space<vmem>>, vector<64x64x512xi8>,
    %eq3A_35 = arith.constant 0 : i32
    %eq3A_36 = arith.cmpi eq, %arg0, %eq3A_35 : i32
    %convert_element_type3A_37 = arith.extui %eq3A_36 : i1 to i32
    %cond3A = arith.constant 0 : i32
    %cond3A_38 = arith.cmpi ne, %convert_element_type3A_37, %cond3A : i32
    scf.if %cond3A_38 {
      %get3A_39 = arith.constant 0 : index
      %get3A_40 = arith.constant 0 : index
      %get3A_41 = vector.load %arg4[%get3A_39, %get3A_40] : memref<64x1xf32, #tpu.memory_space<vmem>>, vector<64x1xf32>
      %get3A_42 = arith.constant 0 : index
      %get3A_43 = arith.constant 0 : index
      %get3A_44 = vector.load %arg5[%get3A_42, %get3A_43] : memref<64x1xi32, #tpu.memory_space<vmem>>, vector<64x1xi32>
      %convert_element_type3A_45 = arith.sitofp %get3A_44 : vector<64x1xi32> to vector<64x1xf32>
      %mul3A = arith.mulf %get3A_41, %convert_element_type3A_45 : vector<64x1xf32>
      %reduce_sum3A = arith.constant dense<0.000000e+00> : vector<1xf32>
      %reduce_sum3A_46 = vector.multi_reduction <add>, %mul3A, %reduce_sum3A [0] : vector<64x1xf32> to vector<1xf32>
      %broadcast_in_dim3A_47 = vector.shape_cast %reduce_sum3A_46 : vector<1xf32> to vector<1x1xf32>
      %mul3A_48 = arith.constant 3.81469727E-6 : f32
      %mul3A_49 = vector.broadcast %mul3A_48 : f32 to vector<1x1xf32>
      %mul3A_50 = arith.mulf %broadcast_in_dim3A_47, %mul3A_49 : vector<1x1xf32>
      %swap3A_51 = arith.constant 0 : index
      %swap3A_52 = arith.constant 0 : index
      %swap3A_53 = vector.load %arg8[%swap3A_51, %swap3A_52] : memref<1x1xf32, #tpu.memory_space<vmem>>, vector<1x1xf32>
      tpu.vector_store %arg8[%swap3A_51, %swap3A_52], %mul3A_50 {strides = array<i32>} : memref<1x1xf32, #tpu.memory_space<vmem>>, vector<1x1xf32>,
    } else {
    }
    return
  }
  func.func @transform_0(%arg0: i32) -> (i32, i32) {
    %c0_i32 = arith.constant 0 : i32
    %c0_i32_0 = arith.constant 0 : i32
    return %c0_i32, %arg0 : i32, i32
  }
  func.func @transform_1(%arg0: i32) -> (i32, i32) {
    %c0_i32 = arith.constant 0 : i32
    %c0_i32_0 = arith.constant 0 : i32
    return %c0_i32, %arg0 : i32, i32
  }
  func.func @transform_2(%arg0: i32) -> (i32, i32) {
    %c0_i32 = arith.constant 0 : i32
    %c0_i32_0 = arith.constant 0 : i32
    return %c0_i32, %arg0 : i32, i32
  }
  func.func @transform_3(%arg0: i32) -> (i32, i32) {
    %c0_i32 = arith.constant 0 : i32
    %c0_i32_0 = arith.constant 0 : i32
    %c0_i32_1 = arith.constant 0 : i32
    return %c0_i32, %c0_i32_0 : i32, i32
  }
  func.func @transform_4(%arg0: i32) -> (i32, i32) {
    %c0_i32 = arith.constant 0 : i32
    %c0_i32_0 = arith.constant 0 : i32
    %c0_i32_1 = arith.constant 0 : i32
    return %c0_i32, %c0_i32_0 : i32, i32
  }
  func.func @transform_5(%arg0: i32) -> (i32, i32, i32) {
    %c0_i32 = arith.constant 0 : i32
    %c0_i32_0 = arith.constant 0 : i32
    %c0_i32_1 = arith.constant 0 : i32
    return %c0_i32, %c0_i32_0, %arg0 : i32, i32, i32
  }
  func.func @transform_6(%arg0: i32) -> (i32, i32, i32) {
    %c0_i32 = arith.constant 0 : i32
    %c0_i32_0 = arith.constant 0 : i32
    %c0_i32_1 = arith.constant 0 : i32
    return %c0_i32, %c0_i32_0, %arg0 : i32, i32, i32
  }
  func.func @transform_7(%arg0: i32) -> (i32, i32) {
    %c0_i32 = arith.constant 0 : i32
    %c0_i32_0 = arith.constant 0 : i32
    %c0_i32_1 = arith.constant 0 : i32
    return %c0_i32, %c0_i32_0 : i32, i32
  }
}

module attributes {stable_mosaic.version = 14 : i64} {
  func.func @_stage1_kernel(%arg0: i32, %arg1: memref<512x4096xf32, #tpu.memory_space<vmem>>, %arg2: memref<64x4096xf32, #tpu.memory_space<vmem>>, %arg3: memref<1x512xi32, #tpu.memory_space<vmem>>, %arg4: memref<1x512xf32, #tpu.memory_space<vmem>>, %arg5: memref<1x512xi32, #tpu.memory_space<vmem>>, %arg6: memref<1x1x64xi32, #tpu.memory_space<vmem>>, %arg7: memref<64x1xf32, #tpu.memory_space<vmem>>, %arg8: memref<64x1xf32, #tpu.memory_space<vmem>>) attributes {dimension_semantics = [#tpu.dimension_semantics<arbitrary>], iteration_bounds = array<i64: 8>, scalar_prefetch = 0 : i64, scratch_operands = 1 : i64, tpu.core_type = #tpu.core_type<tc>, window_params = [{transform_indices = @transform_0, window_bounds = array<i64: 512, 4096>}, {pipeline_mode = #tpu.pipeline_mode<synchronous>, transform_indices = @transform_1, window_bounds = array<i64: 64, 4096>}, {transform_indices = @transform_2, window_bounds = array<i64: 1, 512>}, {transform_indices = @transform_3, window_bounds = array<i64: 1, 512>}, {transform_indices = @transform_4, window_bounds = array<i64: 1, 512>}, {transform_indices = @transform_5, window_bounds = array<i64: 1, 1, 64>}, {pipeline_mode = #tpu.pipeline_mode<synchronous>, transform_indices = @transform_6, window_bounds = array<i64: 64, 1>}]} {
    %eq3A = arith.constant 0 : i32
    %eq3A_0 = arith.cmpi eq, %arg0, %eq3A : i32
    %convert_element_type3A = arith.extui %eq3A_0 : i1 to i32
    %cond3A = arith.constant 0 : i32
    %cond3A_1 = arith.cmpi ne, %convert_element_type3A, %cond3A : i32
    scf.if %cond3A_1 {
      %broadcast_in_dim3A_70 = arith.constant 0.000000e+00 : f32
      %broadcast_in_dim3A_71 = vector.broadcast %broadcast_in_dim3A_70 : f32 to vector<64x1xf32>
      %swap3A_72 = arith.constant 0 : index
      %swap3A_73 = arith.constant 0 : index
      %swap3A_74 = vector.load %arg8[%swap3A_72, %swap3A_73] : memref<64x1xf32, #tpu.memory_space<vmem>>, vector<64x1xf32>
      tpu.vector_store %arg8[%swap3A_72, %swap3A_73], %broadcast_in_dim3A_71 {strides = array<i32>} : memref<64x1xf32, #tpu.memory_space<vmem>>, vector<64x1xf32>,
    } else {
    }
    %get3A = arith.constant 0 : index
    %get3A_2 = arith.constant 0 : index
    %get3A_3 = vector.load %arg1[%get3A, %get3A_2] : memref<512x4096xf32, #tpu.memory_space<vmem>>, vector<512x4096xf32>
    %get3A_4 = arith.constant 0 : index
    %get3A_5 = arith.constant 0 : index
    %get3A_6 = vector.load %arg2[%get3A_4, %get3A_5] : memref<64x4096xf32, #tpu.memory_space<vmem>>, vector<64x4096xf32>
    %dot_general3A = arith.constant dense<0.000000e+00> : vector<64x512xf32>
    %dot_general3A_7 = tpu.matmul %get3A_6, %get3A_3, %dot_general3A {dimension_numbers = #tpu.dot_dimension_numbers<[1], [1], [0], [0], [0, 0, 1, 0], [], []>, transpose_lhs_hint = false} : vector<64x4096xf32>, vector<512x4096xf32>, vector<64x512xf32> -> vector<64x512xf32>
    %reduce_max3A = arith.constant dense<0xFF800000> : vector<512xf32>
    %reduce_max3A_8 = vector.multi_reduction <maximumf>, %dot_general3A_7, %reduce_max3A [0] : vector<64x512xf32> to vector<512xf32>
    %broadcast_in_dim3A = vector.shape_cast %reduce_max3A_8 : vector<512xf32> to vector<1x512xf32>
    %sub3A = vector.broadcast %broadcast_in_dim3A : vector<1x512xf32> to vector<64x512xf32>
    %sub3A_9 = arith.subf %dot_general3A_7, %sub3A : vector<64x512xf32>
    %exp3A = math.exp %sub3A_9 : vector<64x512xf32>
    %reduce_sum3A = arith.constant dense<0.000000e+00> : vector<512xf32>
    %reduce_sum3A_10 = vector.multi_reduction <add>, %exp3A, %reduce_sum3A [0] : vector<64x512xf32> to vector<512xf32>
    %broadcast_in_dim3A_11 = vector.shape_cast %reduce_sum3A_10 : vector<512xf32> to vector<1x512xf32>
    %div3A = vector.broadcast %broadcast_in_dim3A_11 : vector<1x512xf32> to vector<64x512xf32>
    %div3A_12 = arith.divf %exp3A, %div3A : vector<64x512xf32>
    %reduce_max3A_13 = arith.constant dense<0xFF800000> : vector<512xf32>
    %reduce_max3A_14 = vector.multi_reduction <maximumf>, %div3A_12, %reduce_max3A_13 [0] : vector<64x512xf32> to vector<512xf32>
    %broadcast_in_dim3A_15 = vector.shape_cast %reduce_max3A_14 : vector<512xf32> to vector<1x512xf32>
    %iota3A = tpu.iota {dimensions = array<i32: 0>} : vector<64x512xi32>
    %eq3A_16 = vector.broadcast %broadcast_in_dim3A_15 : vector<1x512xf32> to vector<64x512xf32>
    %eq3A_17 = arith.cmpf oeq, %div3A_12, %eq3A_16 : vector<64x512xf32>
    %jit3A = arith.constant 64 : i32
    %broadcast_in_dim3A_18 = vector.broadcast %jit3A : i32 to vector<64x512xi32>
    %select_n3A = arith.select %eq3A_17, %iota3A, %broadcast_in_dim3A_18 : vector<64x512xi1>, vector<64x512xi32>
    %reduce_min3A = arith.constant dense<2147483647> : vector<512xi32>
    %reduce_min3A_19 = vector.multi_reduction <minsi>, %select_n3A, %reduce_min3A [0] : vector<64x512xi32> to vector<512xi32>
    %broadcast_in_dim3A_20 = vector.shape_cast %reduce_min3A_19 : vector<512xi32> to vector<1x512xi32>
    %eq3A_21 = vector.broadcast %broadcast_in_dim3A_20 : vector<1x512xi32> to vector<64x512xi32>
    %eq3A_22 = arith.cmpi eq, %iota3A, %eq3A_21 : vector<64x512xi32>
    %convert_element_type3A_23 = arith.extui %eq3A_22 : vector<64x512xi1> to vector<64x512xi32>
    %convert_element_type3A_24 = arith.sitofp %convert_element_type3A_23 : vector<64x512xi32> to vector<64x512xf32>
    %iota3A_25 = tpu.iota {dimensions = array<i32: 0>} : vector<512x512xi32>
    %iota3A_26 = tpu.iota {dimensions = array<i32: 1>} : vector<512x512xi32>
    %le3A = arith.cmpi sle, %iota3A_25, %iota3A_26 : vector<512x512xi32>
    %convert_element_type3A_27 = arith.extui %le3A : vector<512x512xi1> to vector<512x512xi32>
    %convert_element_type3A_28 = arith.sitofp %convert_element_type3A_27 : vector<512x512xi32> to vector<512x512xf32>
    %dot_general3A_29 = arith.constant dense<0.000000e+00> : vector<64x512xf32>
    %dot_general3A_30 = tpu.matmul %convert_element_type3A_24, %convert_element_type3A_28, %dot_general3A_29 {dimension_numbers = #tpu.dot_dimension_numbers<[1], [0], [0], [1], [0, 0, 1, 1], [], []>, transpose_lhs_hint = false} : vector<64x512xf32>, vector<512x512xf32>, vector<64x512xf32> -> vector<64x512xf32>
    %sub3A_31 = arith.constant 1.000000e+00 : f32
    %sub3A_32 = vector.broadcast %sub3A_31 : f32 to vector<64x512xf32>
    %sub3A_33 = arith.subf %dot_general3A_30, %sub3A_32 : vector<64x512xf32>
    %mul3A = arith.mulf %sub3A_33, %convert_element_type3A_24 : vector<64x512xf32>
    %reduce_sum3A_34 = arith.constant dense<0.000000e+00> : vector<512xf32>
    %reduce_sum3A_35 = vector.multi_reduction <add>, %mul3A, %reduce_sum3A_34 [0] : vector<64x512xf32> to vector<512xf32>
    %broadcast_in_dim3A_36 = vector.shape_cast %reduce_sum3A_35 : vector<512xf32> to vector<1x512xf32>
    %broadcast_in_dim3A_37 = arith.constant 1.000000e+00 : f32
    %broadcast_in_dim3A_38 = vector.broadcast %broadcast_in_dim3A_37 : f32 to vector<1x512xf32>
    %dot_general3A_39 = arith.constant dense<0.000000e+00> : vector<1x64xf32>
    %dot_general3A_40 = tpu.matmul %broadcast_in_dim3A_38, %convert_element_type3A_24, %dot_general3A_39 {dimension_numbers = #tpu.dot_dimension_numbers<[1], [1], [0], [0], [0, 0, 1, 0], [], []>, transpose_lhs_hint = false} : vector<1x512xf32>, vector<64x512xf32>, vector<1x64xf32> -> vector<1x64xf32>
    %get3A_41 = arith.constant 0 : index
    %get3A_42 = arith.constant 0 : index
    %get3A_43 = vector.load %arg8[%get3A_41, %get3A_42] : memref<64x1xf32, #tpu.memory_space<vmem>>, vector<64x1xf32>
    %reduce_sum3A_44 = arith.constant dense<0.000000e+00> : vector<64xf32>
    %reduce_sum3A_45 = vector.multi_reduction <add>, %div3A_12, %reduce_sum3A_44 [1] : vector<64x512xf32> to vector<64xf32>
    %broadcast_in_dim3A_46 = vector.shape_cast %reduce_sum3A_45 : vector<64xf32> to vector<64x1xf32>
    %add3A = arith.addf %get3A_43, %broadcast_in_dim3A_46 : vector<64x1xf32>
    %swap3A = arith.constant 0 : index
    %swap3A_47 = arith.constant 0 : index
    %swap3A_48 = vector.load %arg8[%swap3A, %swap3A_47] : memref<64x1xf32, #tpu.memory_space<vmem>>, vector<64x1xf32>
    tpu.vector_store %arg8[%swap3A, %swap3A_47], %add3A {strides = array<i32>} : memref<64x1xf32, #tpu.memory_space<vmem>>, vector<64x1xf32>,
    %swap3A_49 = arith.constant 0 : index
    %swap3A_50 = arith.constant 0 : index
    %swap3A_51 = vector.load %arg3[%swap3A_49, %swap3A_50] : memref<1x512xi32, #tpu.memory_space<vmem>>, vector<1x512xi32>
    tpu.vector_store %arg3[%swap3A_49, %swap3A_50], %broadcast_in_dim3A_20 {strides = array<i32>} : memref<1x512xi32, #tpu.memory_space<vmem>>, vector<1x512xi32>,
    %swap3A_52 = arith.constant 0 : index
    %swap3A_53 = arith.constant 0 : index
    %swap3A_54 = vector.load %arg4[%swap3A_52, %swap3A_53] : memref<1x512xf32, #tpu.memory_space<vmem>>, vector<1x512xf32>
    tpu.vector_store %arg4[%swap3A_52, %swap3A_53], %broadcast_in_dim3A_15 {strides = array<i32>} : memref<1x512xf32, #tpu.memory_space<vmem>>, vector<1x512xf32>,
    %convert_element_type3A_55 = arith.fptosi %broadcast_in_dim3A_36 : vector<1x512xf32> to vector<1x512xi32>
    %swap3A_56 = arith.constant 0 : index
    %swap3A_57 = arith.constant 0 : index
    %swap3A_58 = vector.load %arg5[%swap3A_56, %swap3A_57] : memref<1x512xi32, #tpu.memory_space<vmem>>, vector<1x512xi32>
    tpu.vector_store %arg5[%swap3A_56, %swap3A_57], %convert_element_type3A_55 {strides = array<i32>} : memref<1x512xi32, #tpu.memory_space<vmem>>, vector<1x512xi32>,
    %convert_element_type3A_59 = arith.fptosi %dot_general3A_40 : vector<1x64xf32> to vector<1x64xi32>
    %broadcast_in_dim3A_60 = vector.shape_cast %convert_element_type3A_59 : vector<1x64xi32> to vector<1x1x64xi32>
    %swap3A_61 = arith.constant 0 : index
    %swap3A_62 = arith.constant 0 : index
    %swap3A_63 = arith.constant 0 : index
    %swap3A_64 = vector.load %arg6[%swap3A_61, %swap3A_62, %swap3A_63] : memref<1x1x64xi32, #tpu.memory_space<vmem>>, vector<1x1x64xi32>
    tpu.vector_store %arg6[%swap3A_61, %swap3A_62, %swap3A_63], %broadcast_in_dim3A_60 {strides = array<i32>} : memref<1x1x64xi32, #tpu.memory_space<vmem>>, vector<1x1x64xi32>,
    %eq3A_65 = arith.constant 7 : i32
    %eq3A_66 = arith.cmpi eq, %arg0, %eq3A_65 : i32
    %convert_element_type3A_67 = arith.extui %eq3A_66 : i1 to i32
    %cond3A_68 = arith.constant 0 : i32
    %cond3A_69 = arith.cmpi ne, %convert_element_type3A_67, %cond3A_68 : i32
    scf.if %cond3A_69 {
      %get3A_70 = arith.constant 0 : index
      %get3A_71 = arith.constant 0 : index
      %get3A_72 = vector.load %arg8[%get3A_70, %get3A_71] : memref<64x1xf32, #tpu.memory_space<vmem>>, vector<64x1xf32>
      %swap3A_73 = arith.constant 0 : index
      %swap3A_74 = arith.constant 0 : index
      %swap3A_75 = vector.load %arg7[%swap3A_73, %swap3A_74] : memref<64x1xf32, #tpu.memory_space<vmem>>, vector<64x1xf32>
      tpu.vector_store %arg7[%swap3A_73, %swap3A_74], %get3A_72 {strides = array<i32>} : memref<64x1xf32, #tpu.memory_space<vmem>>, vector<64x1xf32>,
    } else {
    }
    return
  }
  func.func @transform_0(%arg0: i32) -> (i32, i32) {
    %c0_i32 = arith.constant 0 : i32
    %c0_i32_0 = arith.constant 0 : i32
    return %arg0, %c0_i32 : i32, i32
  }
  func.func @transform_1(%arg0: i32) -> (i32, i32) {
    %c0_i32 = arith.constant 0 : i32
    %c0_i32_0 = arith.constant 0 : i32
    %c0_i32_1 = arith.constant 0 : i32
    return %c0_i32, %c0_i32_0 : i32, i32
  }
  func.func @transform_2(%arg0: i32) -> (i32, i32) {
    %c0_i32 = arith.constant 0 : i32
    %c0_i32_0 = arith.constant 0 : i32
    return %c0_i32, %arg0 : i32, i32
  }
  func.func @transform_3(%arg0: i32) -> (i32, i32) {
    %c0_i32 = arith.constant 0 : i32
    %c0_i32_0 = arith.constant 0 : i32
    return %c0_i32, %arg0 : i32, i32
  }
  func.func @transform_4(%arg0: i32) -> (i32, i32) {
    %c0_i32 = arith.constant 0 : i32
    %c0_i32_0 = arith.constant 0 : i32
    return %c0_i32, %arg0 : i32, i32
  }
  func.func @transform_5(%arg0: i32) -> (i32, i32, i32) {
    %c0_i32 = arith.constant 0 : i32
    %c0_i32_0 = arith.constant 0 : i32
    %c0_i32_1 = arith.constant 0 : i32
    return %arg0, %c0_i32, %c0_i32_0 : i32, i32, i32
  }
  func.func @transform_6(%arg0: i32) -> (i32, i32) {
    %c0_i32 = arith.constant 0 : i32
    %c0_i32_0 = arith.constant 0 : i32
    %c0_i32_1 = arith.constant 0 : i32
    return %c0_i32, %c0_i32_0 : i32, i32
  }
}

</mosaic_0001>

<sc_bundles>
// kernel: kernel.5.cloned.1.call-start
scs
__scs_entry_jumppad:
0x0: {  	(pc) =	sbr.rel $0x88, $3  }
0x1: {  	(tag) =	ssettag $0x0;
	lr =	simm.s32 $0x1  }
0x2: {  	[smem:$0x3F9F] =	sst lr;
	_ =	strace $0xD0000000  }
0x3: {  	_ = 	snop  }
0x4: {  	_ = 	snop  }
0x5: {  	_ = 	snop  }
0x6: {  	_ = 	snop  }
0x7: {  	_ = 	snop  }
__scs_overlays_trampoline_lowered:
0x8: {  	[smem:$0x3FAE] =	sst s0  }
0x9: {  	[smem:$0x3FAF] =	sst s1  }
0xa: {  	[smem:$0x3FB0] =	sst s2  }
0xb: {  	[smem:$0x3FB1] =	sst s3  }
0xc: {  	[smem:$0x3FB2] =	sst s4  }
0xd: {  	[smem:$0x3FB3] =	sst s5  }
0xe: {  	[smem:$0x3FB4] =	sst s6  }
0xf: {  	[smem:$0x3FB5] =	sst s7  }
0x10: {  	[smem:$0x3FB6] =	sst s8  }
0x11: {  	[smem:$0x3FB7] =	sst s9;
	s0 =	simm.s32 @!p0 $0x0  }
0x12: {  	s1 =	sld [smem:$0x3F9D];
	s0 =	simm.s32 @p0 $0x1  }
0x13: {  	[smem:$0x3FB8] =	sst s0;
	s0 =	simm.s32 @!p1 $0x0  }
0x14: {  	s2 =	sld [smem:$0x3F9C];
	s0 =	simm.s32 @p1 $0x1  }
0x15: {  	[smem:$0x3FB9] =	sst s0;
	s0 =	simm.s32 @!p2 $0x0  }
0x16: {  	s3 =	sld [smem:$0x3FDB];
	s0 =	simm.s32 @p2 $0x1  }
0x17: {  	s4 =	simm.s32 $0x1BF5;
	[smem:$0x3FBB] =	sst s0  }
0x18: {  	s0 =	sld [smem:$0x3F9E];
	_ =	swait.ge [sflag:s4], $0x0  }
0x19: {  	s7 =	sld [smem:$0x3F9F]  }
0x1a: {  	s8 =	sadd.s32 $0xFFFFE003, lr  }
0x1b: {  	s9 =	sadd.s32 $0xFFFFFEF7, lr;
	s5 =	simm.s32 $0xFFFFFFFF;
	p2 =	slt.u32 s8, $0xFFFFF086  }
0x1c: {  	p1 =	slt.u32 s9, $0xF7A;
	s5 =	simm.s32 @!p2 $0x0  }
0x1d: {  	s5 =	simm.s32 @p1 $0x1;
	p0 =	seq.s32 s7, s2  }
0x1e: {  	s7 =	smul.u32 @!p0 $0xF7A, s2;
	p2 =	seq.s32 @!p0 s5, $0x0  }
0x1f: {  	s9 =	smul.u32 $0xF7A, s1;
	s8 =	simm.s32 @!p0 $0x1BF5;
	p2 =	por !p2, p0  }
0x20: {  	[sflag:s8] =	ssyncset.s32 @!p0 $0xFFFFF086;
	s6 =	sadd.s32 @!p0 s3, s7;
	s7 =	simm.s32 @!p0 $0x108  }
0x21: {  	s3 =	sadd.s32 s3, s9;
	s6 =	sadd.s32 @!p0 $0x88, s6;
	s7 =	simm.s32 @p2 $0x1082  }
0x22: {  	[simem:s7], [sflag:s8] =	dma.local @!p0 [hbm:s6], $0xF7A  }
0x23: {  	s9 =	sor.u32 $0xD0000000, s2;
	s6 =	simm.s32 $0x108;
	_ =	swait.ge @!p0 [sflag:s8], $0x0  }
0x24: {  	s3 =	sadd.s32 $0x88, s3;
	s6 =	simm.s32 @!p1 $0x1082;
	[sflag:s4] =	ssyncset.s32 $0xFFFFF086  }
0x25: {  	[simem:s6], [sflag:s4] =	dma.local [hbm:s3], $0xF7A  }
0x26: {  	[smem:$0x3F9F] =	sst s1;
	(tag) =	ssettag s2;
	_ =	strace s9  }
0x27: {  	s1 =	sld [smem:$0x3FAF]  }
0x28: {  	s2 =	sld [smem:$0x3FB0]  }
0x29: {  	s4 =	sld [smem:$0x3FB2]  }
0x2a: {  	p0 =	seq.s32 s5, $0x0;
	s5 =	sld [smem:$0x3FB3]  }
0x2b: {  	s6 =	sld [smem:$0x3FB4]  }
0x2c: {  	s7 =	sld [smem:$0x3FB5]  }
0x2d: {  	s3 =	simm.s32 $0x108;
	s8 =	sld [smem:$0x3FB6]  }
0x2e: {  	s3 =	simm.s32 @!p0 $0x1082;
	s9 =	sld [smem:$0x3FB7]  }
0x2f: {  	lr =	sadd.s32 s0, s3;
	s0 =	sld [smem:$0x3FAE]  }
0x30: {  	s3 =	sld [smem:$0x3FB1]  }
0x31: {  	[smem:$0x3FBA] =	sst s10  }
0x32: {  	s10 =	sld [smem:$0x3FB8];
	_ =	sdelay $0x3  }
0x33: {  	p0 =	seq.s32 s10, $0x1;
	s10 =	sld [smem:$0x3FBA];
	_ =	sdelay $0x3  }
0x34: {  	[smem:$0x3FBA] =	sst s10  }
0x35: {  	s10 =	sld [smem:$0x3FB9];
	_ =	sdelay $0x3  }
0x36: {  	p1 =	seq.s32 s10, $0x1;
	s10 =	sld [smem:$0x3FBA];
	_ =	sdelay $0x3  }
0x37: {  	[smem:$0x3FBA] =	sst s10  }
0x38: {  	s10 =	sld [smem:$0x3FBB]  }
0x39: {  	_ = 	snop;
	(pc) =	sbr.ind lr, $3  }
0x3a: {  	_ = 	snop  }
0x3b: {  	_ = 	snop  }
0x3c: {  	p2 =	seq.s32 s10, $0x1;
	s10 =	sld [smem:$0x3FBA]  }
0x3d: {  	_ =	shalt  }
0x3e: {  	_ =	shalt  }
0x3f: {  	_ =	shalt  }
0x40: {  	_ =	shalt  }
0x41: {  	_ =	shalt  }
0x42: {  	_ =	shalt  }
0x43: {  	_ =	shalt  }
0x44: {  	_ =	shalt  }
0x45: {  	_ =	shalt  }
0x46: {  	_ =	shalt  }
0x47: {  	_ =	shalt  }
0x48: {  	_ =	shalt  }
0x49: {  	_ =	shalt  }
0x4a: {  	_ =	shalt  }
0x4b: {  	_ =	shalt  }
0x4c: {  	_ =	shalt  }
0x4d: {  	_ =	shalt  }
0x4e: {  	_ =	shalt  }
0x4f: {  	_ =	shalt  }
0x50: {  	_ =	shalt  }
0x51: {  	_ =	shalt  }
0x52: {  	_ =	shalt  }
0x53: {  	_ =	shalt  }
0x54: {  	_ =	shalt  }
0x55: {  	_ =	shalt  }
0x56: {  	_ =	shalt  }
0x57: {  	_ =	shalt  }
0x58: {  	_ =	shalt  }
0x59: {  	_ =	shalt  }
0x5a: {  	_ =	shalt  }
0x5b: {  	_ =	shalt  }
0x5c: {  	_ =	shalt  }
0x5d: {  	_ =	shalt  }
0x5e: {  	_ =	shalt  }
0x5f: {  	_ =	shalt  }
0x60: {  	_ =	shalt  }
0x61: {  	_ =	shalt  }
0x62: {  	_ =	shalt  }
0x63: {  	_ =	shalt  }
0x64: {  	_ =	shalt  }
0x65: {  	_ =	shalt  }
0x66: {  	_ =	shalt  }
0x67: {  	_ =	shalt  }
0x68: {  	_ =	shalt  }
0x69: {  	_ =	shalt  }
0x6a: {  	_ =	shalt  }
0x6b: {  	_ =	shalt  }
0x6c: {  	_ =	shalt  }
0x6d: {  	_ =	shalt  }
0x6e: {  	_ =	shalt  }
0x6f: {  	_ =	shalt  }
0x70: {  	_ =	shalt  }
0x71: {  	_ =	shalt  }
0x72: {  	_ =	shalt  }
0x73: {  	_ =	shalt  }
0x74: {  	_ =	shalt  }
0x75: {  	_ =	shalt  }
0x76: {  	_ =	shalt  }
0x77: {  	_ =	shalt  }
0x78: {  	_ =	shalt  }
0x79: {  	_ =	shalt  }
0x7a: {  	_ =	shalt  }
0x7b: {  	_ =	shalt  }
0x7c: {  	_ =	shalt  }
0x7d: {  	_ =	shalt  }
0x7e: {  	_ =	shalt  }
0x7f: {  	_ =	shalt  }
0x80: {  	_ =	shalt  }
0x81: {  	_ =	shalt  }
0x82: {  	_ =	shalt  }
0x83: {  	_ =	shalt  }
0x84: {  	_ =	shalt  }
0x85: {  	_ =	shalt  }
0x86: {  	_ =	shalt  }
0x87: {  	_ =	shalt  }
.Lfunc_end0:
.L_simem_size_0:
called_computation_lowered:
.L_overlay_start_0:
0x88: {  	s2 =	sld [smem:$0x3FD9]  }
0x89: {  	s3 =	sld [smem:$0x3FFE];
	_ =	sdelay $0x1  }
0x8a: {  	s1 =	srdreg.scid  }
0x8b: {  	s0 =	sand.u32 $0x1, s1  }
0x8c: {  	s15 =	sshll.u32 s0, $0xA;
	s2 =	sadd.s32 s3, s2  }
0x8d: {  	s2 =	sadd.s32 s2, s15  }
0x8e: {  	[smem:$0x3FC6] =	sst s2  }
0x8f: {  	_ = 	snop  }
0x90: {  	s2 =	sld [smem:$0x3FD0];
	_ =	sdelay $0x2  }
0x91: {  	s16 =	simm.s32 $0xA;
	s4 =	simm.s32 $0x10  }
0x92: {  	[smem:s4], [sflag:s16] =	dma.local [hbm:s2], $0x1  }
0x93: {  	_ =	swait.eq [sflag:s16], $0x1  }
0x94: {  	s17 =	sld [smem:$0x10]  }
0x95: {  	s18 =	sld [smem:$0x11]  }
0x96: {  	s5 =	sld [smem:$0x12];
	[sflag:s16] =	ssyncset.done $0x0  }
0x97: {  	s6 =	sld [smem:$0x13];
	[sflag:s16] =	ssyncadd.s32 $0xFFFFFFFF  }
0x98: {  	s19 =	sld [smem:$0x14];
	(tm) =	ssettm $0x1  }
0x99: {  	s7 =	sld [smem:$0x3FFB];
	_ =	sdelay $0x3  }
0x9a: {  	_ =	strace s7  }
0x9b: {  	s7 =	sld [smem:$0x3FFC];
	_ =	sdelay $0x3  }
0x9c: {  	_ =	strace s7  }
0x9d: {  	s7 =	sld [smem:$0x3FFD];
	_ =	sdelay $0x3  }
0x9e: {  	_ =	strace s7  }
0x9f: {  	_ =	strace $0x8FFFFFFF  }
0xa0: {  	s20 =	sld [smem:$0x3FDB];
	_ =	sdelay $0x1  }
0xa1: {  	s8 =	simm.s32 $_scs_section_size  }
0xa2: {  	s9 =	simm.s32 $_size__tile_overlayer_lowered;
	s10 =	simm.s32 $_tile_overlayer_lowered  }
0xa3: {  	s23 =	simm.s32 $0x1BFF;
	s22 =	sshll.u32 s10, $0x1;
	s7 =	sadd.s32 s8, s20  }
0xa4: {  	s11 =	simm.s32 $0x0;
	s21 =	sshll.u32 s9, $0x1;
	s9 =	sadd.s32 s22, s7  }
0xa5: {  	[timem:s11], [sflag:s23] =	dma.local [hbm:s9], s21  }
0xa6: {  	_ =	swait.ge [sflag:s23], s21  }
0xa7: {  	s8 =	ssub.s32 $0x0, s21;
	[sflag:s23] =	ssyncset.done $0x0  }
0xa8: {  	[sflag:s23] =	ssyncadd.s32 s8;
	_ =	sdelay $0x1  }
0xa9: {  	s24 =	simm.s32 $0x1B8B  }
0xaa: {  	_ =	swait.ge [sflag:s24], $0x1  }
0xab: {  	[sflag:s24] =	ssyncset.done $0x0  }
0xac: {  	s25 =	simm.s32 $0x1B8E;
	[sflag:s24] =	ssyncadd.s32 $0xFFFFFFFF  }
0xad: {  	s26 =	simm.s32 $execute0_lowered;
	[smem:$0x3FD2] =	sst s25  }
0xae: {  	s8 =	sshll.u32 s26, $0x1;
	_ =	strace $0x80000046;
	[dreg:$0x1] =	wrdreg $0xFFFFFFFF  }
0xaf: {  	s28 =	simm.s32 $_size_execute0_lowered;
	s7 =	sadd.s32 s7, s8;
	[dreg:$0x0] =	wrdreg $0x0  }
0xb0: {  	s8 =	sshll.u32 s28, $0x1;
	[dreg:$0x2] =	wrdreg s7  }
0xb1: {  	[dreg:$0x3] =	wrdreg s8  }
0xb2: {  	[dreg:$0x4] =	wrdreg $0xC0  }
0xb3: {  	_ =	task [dreg:s11], $0x5FFFF  }
0xb4: {  	[dreg:$0x1] =	wrdreg $0xFFFFFFFF  }
0xb5: {  	[dreg:$0x0] =	wrdreg $0x60  }
0xb6: {  	[dreg:$0x2] =	wrdreg s6  }
0xb7: {  	[dreg:$0x3] =	wrdreg s5  }
0xb8: {  	[dreg:$0x4] =	wrdreg s18  }
0xb9: {  	[dreg:$0x5] =	wrdreg s19  }
0xba: {  	[dreg:$0x6] =	wrdreg s17  }
0xbb: {  	[dreg:$0x7] =	wrdreg $0x9  }
0xbc: {  	_ =	task.clear_ibuf [dreg:s11], $0x8FFFF;
	_ =	strace $0x90000046  }
0xbd: {  	s29 =	simm.s32 $0x9;
	_ =	strace $0x80000048  }
0xbe: {  	_ =	swait.ge [sflag:s29], $0x1  }
0xbf: {  	[sflag:s29] =	ssyncadd.s32 $0xFFFFFFFF  }
0xc0: {  	_ =	strace $0x90000048  }
0xc1: {  	_ =	sfence  }
0xc2: {  	s30 =	sld [smem:$0x0];
	_ =	sdelay $0x2  }
0xc3: {  	s31 =	sshll.u32 s1, $0xD;
	s1 =	sshrl.u32 s1, $0x2  }
0xc4: {  	s3 =	sand.u32 $0x4000, s31;
	s1 =	sadd.s32 s1, s30  }
0xc5: {  	s0 =	sor.u32 s3, s0;
	s1 =	sshll.u32 s1, $0x11  }
0xc6: {  	s0 =	sor.u32 s1, s0  }
0xc7: {  	s0 =	sadd.s32 $0x8F2B, s0  }
0xc8: {  	[sflag:s0] =	ssyncadd.remote.s32 $0x1  }
0xc9: {  	_ =	sfence.sel $0xFFFF  }
0xca: {  	[dreg:$0x0] =	wrdreg $0xFFFFFFFF;
	(pc) =	sbr.abs _section_cstart, $3  }
0xcb: {  	[dreg:$0x1] =	wrdreg $0xFFFFFFFF  }
0xcc: {  	_ =	task.clear_ibuf [dreg:s11], $0x2FFFF;
	_ =	strace $0x9FFFFFFF  }
0xcd: {  	(tm) =	ssettm $0x7FFFFFFF  }
tec
execute0_lowered:
.L_overlay_start_1:
0x0: {  	(tag) =	ssettag $0x1  }
0x1: {  	s5 =	rddreg [dreg:$0x0]  }
0x2: {  	s6 =	rddreg [dreg:$0x1]  }
0x3: {  	s1 =	rddreg [dreg:$0x2]  }
0x4: {  	s7 =	rddreg [dreg:$0x3]  }
0x5: {  	s2 =	srdreg.scid;
	s0 =	stileid.u32  }
0x6: {  	s3 =	rddreg [dreg:$0x4];
	s12 =	simm.s32 $0x1;
	s13 =	simm.s32 $0x1  }
0x7: {  	s14 =	simm.s32 $0x1;
	s15 =	simm.s32 $0x1;
	s16 =	simm.s32 $0x1  }
0x8: {  	s4 =	sand.u32 $0x1, s2;
	s8 =	sshll.u32 s0, $0x1;
	s2 =	rddreg [dreg:$0x5]  }
0x9: {  	p0 =	sgt.u32 s0, $0x1;
	p1 =	sgt.u32 s0, $0xD;
	s9 =	ssub.s32 $0x2, s4  }
0xa: {  	s8 =	sor.u32 s4, s8;
	s4 =	simm.s32 $0x0;
	s10 =	sshrl.u32 s9, $0x1  }
0xb: {  	s11 =	sshll.u32 s8, $0x4;
	[smem:$0x7FF] =	sst s4;
	s9 =	ssub.s32 s9, s10  }
0xc: {  	s5 =	sadd.s32 s5, s11;
	s6 =	sadd.s32 s6, s11;
	s10 =	simm.s32 $0x1  }
0xd: {  	s7 =	sadd.s32 s7, s11;
	s10 =	simm.s32 @!p0 $0x0;
	p0 =	sgt.u32 s0, $0x3  }
0xe: {  	s11 =	simm.s32 $0x1;
	s12 =	simm.s32 @!p0 $0x0;
	p0 =	sgt.u32 s0, $0x5  }
0xf: {  	_ =	strace $0x80000047;
	s13 =	simm.s32 @!p0 $0x0;
	p0 =	sgt.u32 s0, $0x7  }
0x10: {  	s11 =	simm.s32 @!p1 $0x0;
	s14 =	simm.s32 @!p0 $0x0;
	p0 =	sgt.u32 s0, $0x9  }
0x11: {  	s9 =	smax.u32 s9, $0x1;
	v0 =	vmov s10;
	s15 =	simm.s32 @!p0 $0x0;
	p0 =	sgt.u32 s0, $0xB  }
0x12: {  	v6 =	vmov s11;
	s10 =	simm.s32 $0x80;
	s11 =	simm.s32 $0x180;
	v1 =	vmov s12;
	v2 =	vmov s13;
	s16 =	simm.s32 @!p0 $0x0  }
0x13: {  	s12 =	simm.s32 $0x100;
	v3 =	vmov s14;
	p0 =	sne.s32 s8, $0x0;
	s8 =	simm.s32 $0x1;
	v4 =	vmov s15;
	v5 =	vmov s16  }
.LBB2_1:
0x14: {  	[tilespmem:s4], [sflag:$0x1] =	stream.linear.gather [hbm4b:s5+s4], $0x80, $0x38;
	[tilespmem:$0x600] =	vst v63  }
0x15: {  	_ =	swait.ge [sflag:s8], $0x80  }
0x16: {  	[sflag:s8] =	ssyncset.done $0x0  }
0x17: {  	[sflag:s8] =	ssyncadd.s32 $0xFFFFFF80  }
0x18: {  	[tilespmem:s10], [sflag:$0x1] =	stream.linear.gather [hbm4b:s6+s4], $0x80, $0x38;
	[tilespmem:$0x600] =	vst v63  }
0x19: {  	_ =	swait.ge [sflag:s8], $0x80  }
0x1a: {  	[sflag:s8] =	ssyncset.done $0x0  }
0x1b: {  	[sflag:s8] =	ssyncadd.s32 $0xFFFFFF80  }
0x1c: {  	[tilespmem:s11], [sflag:$0x1] =	stream.linear.gather [hbm4b:s1+s4], $0x400, $0x38;
	[tilespmem:$0x600] =	vst v63  }
0x1d: {  	_ =	swait.ge [sflag:s8], $0x400  }
0x1e: {  	[sflag:s8] =	ssyncset.done $0x0  }
0x1f: {  	[sflag:s8] =	ssyncadd.s32 $0xFFFFFC00  }
0x20: {  	v16 =	vld [tilespmem:$0x180]  }
0x21: {  	v18 =	vld [tilespmem:$0x200]  }
0x22: {  	v14 =	vld [tilespmem:$0x280]  }
0x23: {  	v12 =	vld [tilespmem:$0x300]  }
0x24: {  	v10 =	vld [tilespmem:$0x380]  }
0x25: {  	v8 =	vld [tilespmem:$0x400]  }
0x26: {  	v7 =	vld [tilespmem:$0x480]  }
0x27: {  	v19 =	vld [tilespmem:$0x190]  }
0x28: {  	v20 =	vld [tilespmem:$0x210]  }
0x29: {  	v17 =	vld [tilespmem:$0x290]  }
0x2a: {  	v15 =	vld [tilespmem:$0x310]  }
0x2b: {  	v13 =	vld [tilespmem:$0x390]  }
0x2c: {  	v11 =	vld [tilespmem:$0x410]  }
0x2d: {  	v9 =	vld [tilespmem:$0x490]  }
0x2e: {  	v24 =	vld [tilespmem:$0x1A0]  }
0x2f: {  	v27 =	vld [tilespmem:$0x220]  }
0x30: {  	v26 =	vld [tilespmem:$0x2A0]  }
0x31: {  	v25 =	vld [tilespmem:$0x320]  }
0x32: {  	v34 =	vld [tilespmem:$0x230];
	v21 =	vmul.u32 v0, v16;
	v22 =	vmul.u32 v1, v18;
	v23 =	vmul.u32 v2, v14  }
0x33: {  	v41 =	vld [tilespmem:$0x0];
	v60 =	vmul.u32 v3, v12;
	v28 =	vmul.u32 v4, v10;
	v29 =	vmul.u32 v0, v19  }
0x34: {  	v56 =	vld [tilespmem:$0x10];
	v30 =	vmul.u32 v1, v20;
	v31 =	vmul.u32 v5, v8;
	v32 =	vmul.u32 v2, v17  }
0x35: {  	v33 =	vmul.u32 v6, v7;
	v36 =	vmul.u32 v3, v15;
	v62 =	vmul.u32 v4, v13  }
0x36: {  	v63 =	vmul.u32 v5, v11;
	v37 =	vmul.u32 v0, v24;
	v38 =	vmul.u32 v1, v27  }
0x37: {  	v42 =	vmul.u32 v6, v9;
	v39 =	vmul.u32 v2, v26;
	v43 =	vmul.u32 v3, v25  }
0x38: {  	v40 =	vmul.u32 v1, v34;
	vm0 =	vgt.s32 v41, $0x0;
	v52 =	vadd.s32 $0xFFFFFFF0, v41  }
0x39: {  	v55 =	vadd.s32 $0xFFFFFFE0, v41;
	vm15 =	vlt.u32 v41, $0x10;
	vm7 =	vgt.s32 v56, $0x0  }
0x3a: {  	v59 =	vadd.s32 $0xFFFFFFF0, v56;
	vm10 =	vlt.u32 v56, $0x10;
	v16 =	vadd.s32 @!p0 v16, v18  }
0x3b: {  	v19 =	vadd.s32 @!p0 v19, v20;
	v20 =	vadd.s32 @!p0 v24, v27;
	v51 =	vnsel vm0, $0x0, v41  }
0x3c: {  	vm14 =	vgt.s32 v52, $0x0;
	vm1 =	vgt.s32 v55, $0x0;
	v21 =	vadd.s32 v21, v22;
	v22 =	vld [tilespmem:$0x420]  }
0x3d: {  	v58 =	vnsel vm7, $0x0, v56;
	v29 =	vadd.s32 v29, v30;
	v30 =	vld [tilespmem:$0x1B0];
	v23 =	vadd.s32 v23, v21  }
0x3e: {  	vm9 =	vgt.s32 v59, $0x0;
	v37 =	vadd.s32 v37, v38;
	v21 =	vld [tilespmem:$0x3A0];
	v23 =	vadd.s32 v60, v23  }
0x3f: {  	v53 =	vmin.u32 v51, $0xF;
	v29 =	vadd.s32 v32, v29;
	v32 =	vld [tilespmem:$0x330];
	v28 =	vadd.s32 v28, v23  }
0x40: {  	v54 =	vnsel vm14, $0x0, v52;
	v37 =	vadd.s32 v39, v37;
	v28 =	vadd.s32 v31, v28  }
0x41: {  	v61 =	vadd.s32 v36, v29;
	v29 =	vld [tilespmem:$0x4B0];
	v37 =	vadd.s32 v43, v37;
	v35 =	vadd.s32 v33, v28  }
0x42: {  	v23 =	vld [tilespmem:$0x4A0];
	v28 =	vadd.s32 v62, v61;
	v45 =	vmul.u32 v0, v30;
	v46 =	vmul.u32 v5, v22  }
0x43: {  	v61 =	vnsel vm9, $0x0, v59;
	v62 =	vadd.s32 $0xFFFFFFE0, v56;
	v36 =	vadd.s32 v63, v28  }
0x44: {  	v31 =	vld [tilespmem:$0x2B0];
	v44 =	vmul.u32 v4, v21;
	v47 =	vmul.u32 v3, v32;
	v39 =	vperm.xlane v35, v53  }
0x45: {  	vm11 =	vgt.s32 v62, $0x0;
	v36 =	vadd.s32 v42, v36;
	v38 =	vadd.s32 v45, v40  }
0x46: {  	v33 =	vld [tilespmem:$0x3B0];
	v50 =	vmul.u32 v6, v29;
	v40 =	vmin.u32 v54, $0xF;
	v45 =	vand.u32 $0xFFFFFFF0, v56  }
0x47: {  	v37 =	vadd.s32 v44, v37;
	v43 =	vmul.u32 v6, v23;
	v39 =	vnsel vm15, $0x0, v39  }
0x48: {  	v40 =	vperm.xlane v36, v40;
	v44 =	vand.u32 $0xFFFFFFF0, v41;
	v41 =	vadd.s32 $0xFFFFFFD0, v41  }
0x49: {  	v28 =	vld [tilespmem:$0x430];
	vm12 =	veq.s32 v45, $0x10;
	vm14 =	veq.s32 v45, $0x20;
	v42 =	vmul.u32 v2, v31  }
0x4a: {  	v37 =	vadd.s32 v46, v37;
	vm4 =	veq.s32 v44, $0x10;
	vm5 =	vgt.s32 v41, $0x0  }
0x4b: {  	v63 =	vld [tilespmem:$0x20];
	vm6 =	veq.s32 v44, $0x20;
	vm8 =	veq.s32 v44, $0x30;
	v48 =	vmul.u32 v4, v33  }
0x4c: {  	v37 =	vadd.s32 v43, v37;
	v39 =	vsel vm4, v40, v39;
	v57 =	vnsel vm5, $0x0, v41  }
0x4d: {  	v41 =	vmin.u32 v58, $0xF;
	v43 =	vadd.s32 $0xFFFFFFD0, v56;
	vm4 =	veq.s32 v45, $0x30  }
0x4e: {  	v38 =	vadd.s32 v42, v38;
	v49 =	vmul.u32 v5, v28;
	v42 =	vnsel vm1, $0x0, v55  }
0x4f: {  	v40 =	vmin.u32 v57, $0xF;
	v60 =	vperm.xlane v35, v41;
	v41 =	vmin.u32 v61, $0xF  }
0x50: {  	vm13 =	vgt.s32 v43, $0x0;
	vm15 =	vgt.s32 v63, $0x0;
	v52 =	vadd.s32 $0xFFFFFFF0, v63  }
0x51: {  	v55 =	vadd.s32 $0xFFFFFFE0, v63;
	v46 =	vadd.s32 $0xFFFFFFD0, v63;
	v44 =	vand.u32 $0xFFFFFFF0, v63  }
0x52: {  	v38 =	vadd.s32 v47, v38;
	v42 =	vmin.u32 v42, $0xF;
	v41 =	vperm.xlane v36, v41  }
0x53: {  	v56 =	vld [tilespmem:$0x30];
	v51 =	vnsel vm15, $0x0, v63;
	vm5 =	vgt.s32 v52, $0x0;
	vm7 =	vgt.s32 v55, $0x0  }
0x54: {  	vm9 =	veq.s32 v44, $0x10;
	v38 =	vadd.s32 v48, v38;
	v42 =	vperm.xlane v37, v42  }
0x55: {  	v54 =	vnsel vm5, $0x0, v52;
	v38 =	vadd.s32 v49, v38;
	v49 =	vnsel vm13, $0x0, v43  }
0x56: {  	v43 =	vnsel vm7, $0x0, v55;
	v38 =	vadd.s32 v50, v38;
	v39 =	vsel vm6, v42, v39  }
0x57: {  	v42 =	vnsel vm11, $0x0, v62;
	vm6 =	vlt.u32 v63, $0x10;
	v43 =	vmin.u32 v43, $0xF  }
0x58: {  	vm11 =	vgt.s32 v56, $0x0;
	v59 =	vadd.s32 $0xFFFFFFF0, v56;
	v62 =	vadd.s32 $0xFFFFFFE0, v56  }
0x59: {  	v45 =	vadd.s32 $0xFFFFFFD0, v56;
	v40 =	vperm.xlane v38, v40;
	v42 =	vmin.u32 v42, $0xF  }
0x5a: {  	v43 =	vperm.xlane v37, v43;
	v58 =	vnsel vm11, $0x0, v56;
	vm13 =	vgt.s32 v59, $0x0  }
0x5b: {  	v47 =	vld [tilespmem:$0x80];
	vm15 =	vgt.s32 v62, $0x0;
	vm5 =	vgt.s32 v45, $0x0;
	v48 =	vperm.xlane v37, v42  }
0x5c: {  	v55 =	vld [tilespmem:$0x50];
	v42 =	vmin.u32 v49, $0xF;
	v61 =	vnsel vm13, $0x0, v59;
	v49 =	vnsel vm5, $0x0, v45  }
0x5d: {  	v39 =	vsel vm8, v40, v39;
	v40 =	vnsel vm10, $0x0, v60;
	v50 =	vperm.xlane v38, v42  }
0x5e: {  	v42 =	vmin.u32 v51, $0xF;
	vm8 =	vgt.s32 v46, $0x0;
	vm10 =	veq.s32 v44, $0x20  }
0x5f: {  	v63 =	vld [tilespmem:$0x40];
	v60 =	vmin.u32 v58, $0xF;
	v40 =	vsel vm12, v41, v40;
	v53 =	vperm.xlane v35, v42  }
0x60: {  	v42 =	vmin.u32 v54, $0xF;
	v46 =	vnsel vm8, $0x0, v46;
	vm12 =	veq.s32 v44, $0x30  }
0x61: {  	v44 =	vnsel vm15, $0x0, v62;
	v39 =	vadd.s32 v39, v47;
	vm15 =	vgt.s32 v55, $0x0  }
0x62: {  	v59 =	vadd.s32 $0xFFFFFFF0, v55;
	v62 =	vadd.s32 $0xFFFFFFE0, v55;
	v40 =	vsel vm14, v48, v40  }
0x63: {  	v42 =	vperm.xlane v36, v42;
	v57 =	vmin.u32 v46, $0xF;
	vm14 =	vlt.u32 v56, $0x10  }
0x64: {  	v48 =	vand.u32 $0xFFFFFFF0, v56;
	v44 =	vmin.u32 v44, $0xF;
	vm7 =	vgt.s32 v63, $0x0  }
0x65: {  	v51 =	vadd.s32 $0xFFFFFFF0, v63;
	v54 =	vadd.s32 $0xFFFFFFE0, v63;
	v46 =	vadd.s32 $0xFFFFFFD0, v63  }
0x66: {  	v58 =	vnsel vm15, $0x0, v55;
	vm5 =	vgt.s32 v59, $0x0;
	v40 =	vsel vm4, v50, v40  }
0x67: {  	v41 =	vnsel vm6, $0x0, v53;
	vm4 =	veq.s32 v48, $0x10;
	v44 =	vperm.xlane v37, v44  }
0x68: {  	vm6 =	veq.s32 v48, $0x20;
	v50 =	vnsel vm7, $0x0, v63;
	vm8 =	veq.s32 v48, $0x30  }
0x69: {  	vm11 =	vgt.s32 v54, $0x0;
	vm13 =	vgt.s32 v46, $0x0;
	vm7 =	vgt.s32 v62, $0x0  }
0x6a: {  	v48 =	vadd.s32 $0xFFFFFFD0, v55;
	v41 =	vsel vm9, v42, v41;
	v42 =	vperm.xlane v38, v57  }
0x6b: {  	vm9 =	vgt.s32 v51, $0x0;
	v47 =	vnsel vm11, $0x0, v54;
	v57 =	vnsel vm13, $0x0, v46  }
0x6c: {  	v46 =	vnsel vm5, $0x0, v59;
	v41 =	vsel vm10, v43, v41;
	v43 =	vmin.u32 v61, $0xF  }
0x6d: {  	v53 =	vld [tilespmem:$0x90];
	v45 =	vnsel vm9, $0x0, v51;
	vm10 =	vlt.u32 v63, $0x10;
	v47 =	vmin.u32 v47, $0xF  }
0x6e: {  	v46 =	vmin.u32 v46, $0xF;
	v51 =	vand.u32 $0xFFFFFFF0, v55;
	vm9 =	vgt.s32 v48, $0x0  }
0x6f: {  	v41 =	vsel vm12, v42, v41;
	v42 =	vperm.xlane v35, v60;
	v43 =	vperm.xlane v36, v43  }
0x70: {  	v45 =	vmin.u32 v45, $0xF;
	v56 =	vperm.xlane v37, v47;
	v46 =	vperm.xlane v36, v46  }
0x71: {  	v47 =	vnsel vm7, $0x0, v62;
	v45 =	vperm.xlane v36, v45;
	v42 =	vnsel vm14, $0x0, v42  }
0x72: {  	v47 =	vmin.u32 v47, $0xF;
	v40 =	vadd.s32 v40, v53;
	v42 =	vsel vm4, v43, v42  }
0x73: {  	v61 =	vld [tilespmem:$0xB0];
	v54 =	vperm.xlane v37, v47;
	v43 =	vmin.u32 v49, $0xF;
	v42 =	vsel vm6, v44, v42  }
0x74: {  	v49 =	vld [tilespmem:$0xA0];
	v43 =	vperm.xlane v38, v43;
	v44 =	vmin.u32 v50, $0xF;
	v50 =	vand.u32 $0xFFFFFFF0, v63  }
0x75: {  	vm6 =	vlt.u32 v55, $0x10;
	v55 =	vnsel vm9, $0x0, v48;
	v52 =	vperm.xlane v35, v44  }
0x76: {  	vm12 =	veq.s32 v50, $0x10;
	vm14 =	veq.s32 v50, $0x20;
	v44 =	vmin.u32 v57, $0xF  }
0x77: {  	v63 =	vld [tilespmem:$0xC0];
	vm4 =	veq.s32 v50, $0x30;
	v42 =	vsel vm8, v43, v42;
	v44 =	vperm.xlane v38, v44  }
0x78: {  	vm8 =	veq.s32 v51, $0x10;
	v43 =	vnsel vm10, $0x0, v52;
	v42 =	vadd.s32 v42, v61;
	v61 =	vld [tilespmem:$0x70]  }
0x79: {  	v43 =	vsel vm12, v45, v43;
	v41 =	vadd.s32 v41, v49;
	v45 =	vmin.u32 v58, $0xF;
	v49 =	vld [tilespmem:$0x60]  }
0x7a: {  	vm10 =	veq.s32 v51, $0x20;
	v43 =	vsel vm14, v56, v43;
	v60 =	vperm.xlane v35, v45  }
0x7b: {  	vm12 =	veq.s32 v51, $0x30;
	v45 =	vmin.u32 v55, $0xF;
	v43 =	vsel vm4, v44, v43  }
0x7c: {  	v45 =	vperm.xlane v38, v45;
	v44 =	vnsel vm6, $0x0, v60;
	v43 =	vadd.s32 v43, v63  }
0x7d: {  	v44 =	vsel vm8, v46, v44;
	vm7 =	vgt.s32 v61, $0x0;
	v55 =	vadd.s32 $0xFFFFFFE0, v61  }
0x7e: {  	v44 =	vsel vm10, v54, v44;
	vm11 =	vgt.s32 v49, $0x0;
	v57 =	vadd.s32 $0xFFFFFFF0, v49  }
0x7f: {  	vm14 =	vlt.u32 v49, $0x10;
	v60 =	vadd.s32 $0xFFFFFFE0, v49;
	v63 =	vadd.s32 $0xFFFFFFD0, v49  }
0x80: {  	v52 =	vnsel vm7, $0x0, v61;
	v54 =	vadd.s32 $0xFFFFFFF0, v61;
	vm10 =	vgt.s32 v55, $0x0  }
0x81: {  	v62 =	vld [tilespmem:$0xD0];
	v56 =	vnsel vm11, $0x0, v49;
	v44 =	vsel vm12, v45, v44;
	vm13 =	vgt.s32 v57, $0x0  }
0x82: {  	vm15 =	vgt.s32 v60, $0x0;
	v49 =	vand.u32 $0xFFFFFFF0, v49;
	vm4 =	vgt.s32 v63, $0x0  }
0x83: {  	v53 =	vmin.u32 v52, $0xF;
	vm9 =	vgt.s32 v54, $0x0;
	vm12 =	vlt.u32 v61, $0x10  }
0x84: {  	v46 =	vmin.u32 v56, $0xF;
	v59 =	vnsel vm13, $0x0, v57;
	v47 =	vnsel vm15, $0x0, v60  }
0x85: {  	v51 =	vnsel vm4, $0x0, v63;
	vm5 =	veq.s32 v49, $0x10;
	vm6 =	veq.s32 v49, $0x20  }
0x86: {  	v44 =	vadd.s32 v44, v62;
	vm8 =	veq.s32 v49, $0x30;
	v56 =	vadd.s32 $0xFFFFFFD0, v61  }
0x87: {  	v58 =	vperm.xlane v35, v46;
	v46 =	vmin.u32 v59, $0xF;
	v47 =	vmin.u32 v47, $0xF  }
0x88: {  	v51 =	vmin.u32 v51, $0xF;
	v35 =	vperm.xlane v35, v53;
	v46 =	vperm.xlane v36, v46  }
0x89: {  	vm11 =	vgt.s32 v56, $0x0;
	v47 =	vperm.xlane v37, v47;
	v45 =	vnsel vm14, $0x0, v58  }
0x8a: {  	v59 =	vand.u32 $0xFFFFFFF0, v61;
	v45 =	vsel vm5, v46, v45;
	v46 =	vperm.xlane v38, v51  }
0x8b: {  	v57 =	vnsel vm11, $0x0, v56;
	v45 =	vsel vm6, v47, v45;
	v47 =	vnsel vm9, $0x0, v54  }
0x8c: {  	[tilespmem:$0x100] =	vst v39;
	v58 =	vld [tilespmem:$0xE0];
	v45 =	vsel vm8, v46, v45;
	v47 =	vmin.u32 v47, $0xF;
	v46 =	vnsel vm10, $0x0, v55  }
0x8d: {  	[tilespmem:$0x110] =	vst v40;
	v60 =	vld [tilespmem:$0xF0];
	vm13 =	veq.s32 v59, $0x10;
	v36 =	vperm.xlane v36, v47;
	v46 =	vmin.u32 v46, $0xF  }
0x8e: {  	[tilespmem:$0x130] =	vst v42;
	v35 =	vnsel vm12, $0x0, v35;
	v61 =	vmin.u32 v57, $0xF;
	v37 =	vperm.xlane v37, v46  }
0x8f: {  	[tilespmem:$0x120] =	vst v41;
	vm14 =	veq.s32 v59, $0x20;
	v62 =	vperm.xlane v38, v61;
	v35 =	vsel vm13, v36, v35  }
0x90: {  	v14 =	vadd.s32 @!p0 v14, v16;
	[tilespmem:$0x140] =	vst v43;
	vm15 =	veq.s32 v59, $0x30;
	v35 =	vsel vm14, v37, v35  }
0x91: {  	v18 =	vld [tilespmem:$0x520];
	v17 =	vadd.s32 @!p0 v17, v19;
	[tilespmem:$0x150] =	vst v44;
	v63 =	vadd.s32 v45, v58;
	v35 =	vsel vm15, v62, v35  }
0x92: {  	v12 =	vadd.s32 @!p0 v12, v14;
	v30 =	vadd.s32 @!p0 v30, v34;
	v34 =	vld [tilespmem:$0x500];
	[tilespmem:$0x160] =	vst v63;
	v35 =	vadd.s32 v35, v60  }
0x93: {  	v15 =	vadd.s32 @!p0 v15, v17;
	v10 =	vadd.s32 @!p0 v10, v12;
	v30 =	vadd.s32 @!p0 v31, v30;
	v31 =	vld [tilespmem:$0x510];
	[tilespmem:$0x170] =	vst v35  }
0x94: {  	v16 =	vld [tilespmem:$0x530];
	v14 =	vadd.s32 @!p0 v26, v20;
	v13 =	vadd.s32 @!p0 v13, v15;
	v8 =	vadd.s32 @!p0 v8, v10;
	[hbm4b:s7+s4] =	stream.linear.scatter [tilespmem:s12], [sflag:$0x1], $0x80, $0x38  }
0x95: {  	v12 =	vadd.s32 @!p0 v25, v14;
	v11 =	vadd.s32 @!p0 v11, v13;
	v7 =	vadd.s32 @!p0 v7, v8;
	_ =	swait.ge [sflag:s8], $0x80  }
0x96: {  	v9 =	vadd.s32 @!p0 v9, v11;
	v10 =	vadd.s32 @!p0 v21, v12;
	v30 =	vadd.s32 @!p0 v32, v30;
	[sflag:s8] =	ssyncset.done $0x0  }
0x97: {  	v8 =	vadd.s32 @!p0 v22, v10;
	v7 =	vadd.s32 @!p0 v34, v7;
	v30 =	vadd.s32 @!p0 v33, v30;
	[sflag:s8] =	ssyncadd.s32 $0xFFFFFF80  }
0x98: {  	v8 =	vadd.s32 @!p0 v23, v8;
	v10 =	vadd.s32 @!p0 v28, v30;
	v9 =	vadd.s32 @!p0 v31, v9;
	[tilespmem:$0x580] =	vst @!p0 v7  }
0x99: {  	v8 =	vadd.s32 @!p0 v18, v8;
	v7 =	vadd.s32 @!p0 v29, v10;
	[tilespmem:$0x590] =	vst @!p0 v9  }
0x9a: {  	s9 =	sadd.s32 $0xFFFFFFFF, s9;
	[tilespmem:$0x5A0] =	vst @!p0 v8;
	v7 =	vadd.s32 @!p0 v16, v7  }
0x9b: {  	s13 =	simm.s32 @!p0 $0x0;
	s14 =	simm.s32 @!p0 $0x580;
	p1 =	sne.s32 s9, $0x0;
	[tilespmem:$0x5B0] =	vst @!p0 v7  }
0x9c: {  	[hbm4b:s3+s13] =	stream.linear.scatter @!p0 [tilespmem:s14], [sflag:$0x1], $0x80, $0x38;
	[tilespmem:$0x600] =	vst v63  }
.Ltmp0:
0x9d: {  	_ = 	snop;
	(pc) =	sbr.rel @p1 .LBB2_1-.Ltmp0, $4  }
0x9e: {  	s13 =	simm.s32 @!p0 $0x1  }
0x9f: {  	_ =	swait.ge @!p0 [sflag:s13], $0x80  }
0xa0: {  	[sflag:s13] =	ssyncset.done @!p0 $0x0  }
0xa1: {  	[sflag:s13] =	ssyncadd.s32 @!p0 $0xFFFFFF80  }
0xa2: {  	_ =	sfence.sel $0x180000  }
0xa3: {  	[bflag:$0x0] =	sbarrier.arrive $0xFFFF  }
0xa4: {  	p0 =	sne.s32 s0, $0x0;
	_ =	strace $0x90000047  }
0xa5: {  	s0 =	sadd.s32 @!p0 $0x100000, s2;
	[bflag:$0x2] =	sbarrier.arrive $0xFFFF  }
0xa6: {  	[sflag:s0] =	ssyncadd.tile.s32 @!p0 $0x1;
	_ =	shalt  }
.Lfunc_end2:
_tile_overlayer_lowered:
.L_overlay_start_2:
0xa7: {  	(tag) =	ssettag $0x2  }
0xa8: {  	s0 =	rddreg [dreg:$0x0];
	s2 =	stileid.u32  }
0xa9: {  	s1 =	rddreg [dreg:$0x1];
	p0 =	sne.s32 s2, $0x0  }
0xaa: {  	s3 =	rddreg [dreg:$0x2];
	[bflag:$0x3] =	sbarrier.arrive $0xFFFF;
	s2 =	simm.s32 @!p0 $0x1C01  }
0xab: {  	[timem:s3], [sflag:s2] =	dma.local @!p0 [hbm:s0], s1  }
0xac: {  	s0 =	simm.s32 @!p0 $0x1  }
0xad: {  	_ =	swait.ge @!p0 [sflag:s0], s1  }
0xae: {  	s1 =	ssub.s32 @!p0 $0x0, s1;
	[sflag:s0] =	ssyncset.done @!p0 $0x0  }
0xaf: {  	[sflag:s0] =	ssyncadd.s32 @!p0 s1  }
0xb0: {  	[bflag:$0x3] =	sbarrier.arrive $0xFFFF  }
0xb1: {  	_ =	shalt  }

</sc_bundles>
